<compile_context>
chip_gen: v7x
topology: tpu7x:2x2x1
jax: 0.10.2.dev20260603
libtpu: 0.0.44.dev20260713+nightly
codegen_flags: <defaults>
</compile_context>

<pallas_src>
import functools

import jax
import jax.numpy as jnp
from jax import lax
from jax.experimental import pallas as pl
from jax.experimental.pallas import tpu as pltpu
from jax.experimental.pallas import tpu_sc as plsc

VOCAB = 100000
DIM = 128
LABELS = 1000
B = 4096
L = 200

NC = 2
NS = 16
NW = NC * NS
DOCS_PER_W = B // NW
LANES = 16
NSEG = DIM // LANES


def _sc_gather_sum(x, table):
    mesh = plsc.VectorSubcoreMesh(core_axis_name="c", subcore_axis_name="s")

    NBUF = 3

    @functools.partial(
        pl.kernel,
        mesh=mesh,
        out_type=jax.ShapeDtypeStruct((B, DIM), jnp.float32),
        scratch_types=[
            pltpu.VMEM((DOCS_PER_W, L), jnp.int32),
            [pltpu.VMEM((L, DIM), jnp.float32)] * NBUF,
            pltpu.VMEM((DOCS_PER_W, DIM), jnp.float32),
            [pltpu.SemaphoreType.DMA] * NBUF,
        ],
    )
    def k(x_hbm, table_hbm, out_hbm, idx_v, rows, out_v, gsem):
        wid = lax.axis_index("s") * NC + lax.axis_index("c")
        base = wid * DOCS_PER_W
        L2 = L - 128

        pltpu.sync_copy(x_hbm.at[pl.ds(base, DOCS_PER_W)], idx_v)

        CHUNKS = ((0, 128), (128, L2))

        def fire(d, i):
            for (o, n) in CHUNKS:
                pltpu.async_copy(table_hbm.at[idx_v.at[d, pl.ds(o, n)]],
                                 rows[i].at[pl.ds(o, n)], gsem[i])

        def reduce_rows(buf, start, n, carry0):
            @plsc.parallel_loop(start, start + n, 1, unroll=8, carry=carry0)
            def acc(r, carry):
                return tuple(
                    carry[j] + buf[r, pl.ds(j * LANES, LANES)]
                    for j in range(NSEG))
            return acc

        def consume(d, i):
            zero = (jnp.zeros((LANES,), jnp.float32),) * NSEG
            for (o, n) in CHUNKS:
                pltpu.make_async_copy(table_hbm.at[pl.ds(0, n)],
                                      rows[i].at[pl.ds(o, n)],
                                      gsem[i]).wait()
            acc = reduce_rows(rows[i], 0, L, zero)
            for j in range(NSEG):
                out_v[d, pl.ds(j * LANES, LANES)] = acc[j]

        fire(0, 0)
        fire(1, 1)

        @pl.loop(0, 42)
        def _(g):
            a = 3 * g
            fire(a + 2, 2)
            consume(a, 0)
            fire(a + 3, 0)
            consume(a + 1, 1)
            fire(a + 4, 1)
            consume(a + 2, 2)

        consume(126, 0)
        consume(127, 1)

        pltpu.sync_copy(out_v, out_hbm.at[pl.ds(base, DOCS_PER_W)])

    return k(x, table)


def _tc_binarize_matmul(doc_sum, W, b):
    LB = 1024
    Wp = jnp.zeros((LB, DIM), jnp.float32).at[:LABELS].set(W)
    bp = jnp.zeros((1, LB), jnp.float32).at[0, :LABELS].set(b)
    BBLK = 512

    def body(e_ref, w_ref, b_ref, o_ref):
        e = (e_ref[...] > 0.0).astype(jnp.float32)
        o_ref[...] = lax.dot_general(
            e, w_ref[...], (((1,), (1,)), ((), ())),
            preferred_element_type=jnp.float32) + b_ref[...]

    out = pl.pallas_call(
        body,
        grid=(B // BBLK,),
        in_specs=[
            pl.BlockSpec((BBLK, DIM), lambda i: (i, 0)),
            pl.BlockSpec((LB, DIM), lambda i: (0, 0)),
            pl.BlockSpec((1, LB), lambda i: (0, 0)),
        ],
        out_specs=pl.BlockSpec((BBLK, LB), lambda i: (i, 0)),
        out_shape=jax.ShapeDtypeStruct((B, LB), jnp.float32),
    )(doc_sum, Wp, bp)
    return out[:, :LABELS]


def kernel(x, m, table, W, b):
    del m
    doc_sum = _sc_gather_sum(x, table)
    return _tc_binarize_matmul(doc_sum, W, b)

# --- scband reference (transcript-rebuilt; emitter-appended) ---
"""Pipeline reference for scband-linear-7181185319588 (READ-ONLY COPY).

The authoritative reference and input builder live on the scoring server;
editing this copy changes nothing except your own understanding.
"""

import jax, jax.numpy as jnp
import numpy as np

VOCAB = 100000
DIM = 128
LABELS = 1000
B = 4096
L = 200

def setup_inputs(seed: int = 0) -> dict:
    key = jax.random.key(seed)
    k1, k2, k3, k4 = jax.random.split(key, 4)
    x = jax.random.randint(k1, (B, L), 0, VOCAB, dtype=jnp.int32)
    m = jnp.ones((B, L), dtype=jnp.float32)
    # learned parameters
    table = jax.random.normal(k2, (VOCAB, DIM), dtype=jnp.float32) * 0.02
    W = jax.random.normal(k3, (LABELS, DIM), dtype=jnp.float32) * 0.02
    b = jnp.zeros((LABELS,), dtype=jnp.float32)
    return {"x": x, "m": m, "table": table, "W": W, "b": b}

def reference(x, m, table, W, b):
    # embed lookup: (B, L, DIM)
    word_embeddings = jnp.take(table, x, axis=0)
    # bag-of-words sum over seq_len: (B, DIM)
    doc_embedding = word_embeddings.sum(axis=1)
    # binarize (same as (doc_embedding > 0).float())
    doc_embedding = (doc_embedding > 0).astype(jnp.float32)
    # linear classifier: (B, LABELS)
    predict = doc_embedding @ W.T + b
    return predict

if __name__ == "__main__":
    import jax
    _d = setup_inputs()
    print(jax.jit(kernel)(*tuple(_d.values())))

</pallas_src>

<mosaic_0001>
#map = affine_map<(d0, d1) -> (0, 0)>
module attributes {stable_mosaic.version = 14 : i64} {
  func.func @k(%arg0: i32, %arg1: i32, %arg2: memref<4096x200xi32, #tpu.memory_space<hbm>>, %arg3: memref<100000x128xf32, #tpu.memory_space<hbm>>, %arg4: memref<4096x128xf32, #tpu.memory_space<hbm>>, %arg5: memref<128x200xi32, #tpu.memory_space<vmem>>, %arg6: memref<200x128xf32, #tpu.memory_space<vmem>>, %arg7: memref<200x128xf32, #tpu.memory_space<vmem>>, %arg8: memref<200x128xf32, #tpu.memory_space<vmem>>, %arg9: memref<128x128xf32, #tpu.memory_space<vmem>>, %arg10: memref<!tpu.dma_semaphore, #tpu.memory_space<semaphore_mem>>, %arg11: memref<!tpu.dma_semaphore, #tpu.memory_space<semaphore_mem>>, %arg12: memref<!tpu.dma_semaphore, #tpu.memory_space<semaphore_mem>>) attributes {dimension_semantics = [#tpu.dimension_semantics<core_parallel>, #tpu.dimension_semantics<subcore_parallel>], iteration_bounds = array<i64: 2, 16>, scalar_prefetch = 0 : i64, scratch_operands = 8 : i64, tpu.core_type = #tpu.core_type<sc_vector_subcore>, window_params = [{transform_indices = #map}, {transform_indices = #map}, {transform_indices = #map}]} {
    %mul3A = arith.constant 2 : i32
    %mul3A_0 = arith.muli %arg1, %mul3A : i32
    %add3A = arith.addi %mul3A_0, %arg0 : i32
    %mul3A_1 = arith.constant 128 : i32
    %mul3A_2 = arith.muli %add3A, %mul3A_1 : i32
    "tpu.region"() ({
      %run_scoped3A = tpu.sem_alloc : memref<!tpu.dma_semaphore, #tpu.memory_space<semaphore_mem>>
      %dma_start3A_198 = arith.constant 0 : i32
      %dma_start3A_199 = tpu.memref_slice %arg2[%mul3A_2, %dma_start3A_198] : memref<4096x200xi32, #tpu.memory_space<hbm>> -> memref<128x200xi32, #tpu.memory_space<hbm>>
      %dma_start3A_200 = arith.constant 0 : i32
      %dma_start3A_201 = tpu.memref_slice %arg2[%mul3A_2, %dma_start3A_200] : memref<4096x200xi32, #tpu.memory_space<hbm>> -> memref<128x200xi32, #tpu.memory_space<hbm>>
      tpu.enqueue_dma source(%dma_start3A_201 : memref<128x200xi32, #tpu.memory_space<hbm>>) target(%arg5 : memref<128x200xi32, #tpu.memory_space<vmem>>) target_semaphore(%run_scoped3A : memref<!tpu.dma_semaphore, #tpu.memory_space<semaphore_mem>>)
      %dma_wait3A_202 = arith.constant 0 : i32
      %dma_wait3A_203 = tpu.memref_slice %arg2[%mul3A_2, %dma_wait3A_202] : memref<4096x200xi32, #tpu.memory_space<hbm>> -> memref<128x200xi32, #tpu.memory_space<hbm>>
      %dma_wait3A_204 = arith.constant 0 : i32
      %dma_wait3A_205 = tpu.memref_slice %arg2[%mul3A_2, %dma_wait3A_204] : memref<4096x200xi32, #tpu.memory_space<hbm>> -> memref<128x200xi32, #tpu.memory_space<hbm>>
      tpu.wait_dma2 semaphore(%run_scoped3A : memref<!tpu.dma_semaphore, #tpu.memory_space<semaphore_mem>>) src(%dma_wait3A_205 : memref<128x200xi32, #tpu.memory_space<hbm>>) dst(%arg5 : memref<128x200xi32, #tpu.memory_space<vmem>>)
      tpu.yield
    }) : () -> ()
    %dma_start3A = arith.constant 0 : i32
    %dma_start3A_3 = arith.constant 0 : i32
    %dma_start3A_4 = arith.constant 0 : i32
    %dma_start3A_5 = tpu.memref_slice %arg6[%dma_start3A_3, %dma_start3A_4] : memref<200x128xf32, #tpu.memory_space<vmem>> -> memref<128x128xf32, #tpu.memory_space<vmem>>
    %dma_start3A_6 = arith.constant 0 : i32
    %dma_start3A_7 = tpu.memref_slice %arg5[%dma_start3A, %dma_start3A_6] : memref<128x200xi32, #tpu.memory_space<vmem>> -> memref<1x128xi32, #tpu.memory_space<vmem>>
    %dma_start3A_8 = tpu.memref_squeeze %dma_start3A_7 : memref<1x128xi32, #tpu.memory_space<vmem>> -> memref<128xi32, #tpu.memory_space<vmem>>
    %dma_start3A_9 = arith.constant 0 : i32
    %dma_start3A_10 = arith.constant 0 : i32
    %dma_start3A_11 = tpu.memref_slice %arg3[%dma_start3A_9, %dma_start3A_10] : memref<100000x128xf32, #tpu.memory_space<hbm>> -> memref<100000x128xf32, #tpu.memory_space<hbm>>
    tpu.enqueue_indirect_dma source(%dma_start3A_11 : memref<100000x128xf32, #tpu.memory_space<hbm>>) target(%dma_start3A_5 : memref<128x128xf32, #tpu.memory_space<vmem>>) offsets(%dma_start3A_8 : memref<128xi32, #tpu.memory_space<vmem>>) semaphore(%arg10 : memref<!tpu.dma_semaphore, #tpu.memory_space<semaphore_mem>>)
    %dma_start3A_12 = arith.constant 0 : i32
    %dma_start3A_13 = arith.constant 128 : i32
    %dma_start3A_14 = arith.constant 0 : i32
    %dma_start3A_15 = tpu.memref_slice %arg6[%dma_start3A_13, %dma_start3A_14] : memref<200x128xf32, #tpu.memory_space<vmem>> -> memref<72x128xf32, #tpu.memory_space<vmem>>
    %dma_start3A_16 = arith.constant 128 : i32
    %dma_start3A_17 = tpu.memref_slice %arg5[%dma_start3A_12, %dma_start3A_16] : memref<128x200xi32, #tpu.memory_space<vmem>> -> memref<1x72xi32, #tpu.memory_space<vmem>>
    %dma_start3A_18 = tpu.memref_squeeze %dma_start3A_17 : memref<1x72xi32, #tpu.memory_space<vmem>> -> memref<72xi32, #tpu.memory_space<vmem>>
    %dma_start3A_19 = arith.constant 0 : i32
    %dma_start3A_20 = arith.constant 0 : i32
    %dma_start3A_21 = tpu.memref_slice %arg3[%dma_start3A_19, %dma_start3A_20] : memref<100000x128xf32, #tpu.memory_space<hbm>> -> memref<100000x128xf32, #tpu.memory_space<hbm>>
    tpu.enqueue_indirect_dma source(%dma_start3A_21 : memref<100000x128xf32, #tpu.memory_space<hbm>>) target(%dma_start3A_15 : memref<72x128xf32, #tpu.memory_space<vmem>>) offsets(%dma_start3A_18 : memref<72xi32, #tpu.memory_space<vmem>>) semaphore(%arg10 : memref<!tpu.dma_semaphore, #tpu.memory_space<semaphore_mem>>)
    %dma_start3A_22 = arith.constant 1 : i32
    %dma_start3A_23 = arith.constant 0 : i32
    %dma_start3A_24 = arith.constant 0 : i32
    %dma_start3A_25 = tpu.memref_slice %arg7[%dma_start3A_23, %dma_start3A_24] : memref<200x128xf32, #tpu.memory_space<vmem>> -> memref<128x128xf32, #tpu.memory_space<vmem>>
    %dma_start3A_26 = arith.constant 0 : i32
    %dma_start3A_27 = tpu.memref_slice %arg5[%dma_start3A_22, %dma_start3A_26] : memref<128x200xi32, #tpu.memory_space<vmem>> -> memref<1x128xi32, #tpu.memory_space<vmem>>
    %dma_start3A_28 = tpu.memref_squeeze %dma_start3A_27 : memref<1x128xi32, #tpu.memory_space<vmem>> -> memref<128xi32, #tpu.memory_space<vmem>>
    %dma_start3A_29 = arith.constant 0 : i32
    %dma_start3A_30 = arith.constant 0 : i32
    %dma_start3A_31 = tpu.memref_slice %arg3[%dma_start3A_29, %dma_start3A_30] : memref<100000x128xf32, #tpu.memory_space<hbm>> -> memref<100000x128xf32, #tpu.memory_space<hbm>>
    tpu.enqueue_indirect_dma source(%dma_start3A_31 : memref<100000x128xf32, #tpu.memory_space<hbm>>) target(%dma_start3A_25 : memref<128x128xf32, #tpu.memory_space<vmem>>) offsets(%dma_start3A_28 : memref<128xi32, #tpu.memory_space<vmem>>) semaphore(%arg11 : memref<!tpu.dma_semaphore, #tpu.memory_space<semaphore_mem>>)
    %dma_start3A_32 = arith.constant 1 : i32
    %dma_start3A_33 = arith.constant 128 : i32
    %dma_start3A_34 = arith.constant 0 : i32
    %dma_start3A_35 = tpu.memref_slice %arg7[%dma_start3A_33, %dma_start3A_34] : memref<200x128xf32, #tpu.memory_space<vmem>> -> memref<72x128xf32, #tpu.memory_space<vmem>>
    %dma_start3A_36 = arith.constant 128 : i32
    %dma_start3A_37 = tpu.memref_slice %arg5[%dma_start3A_32, %dma_start3A_36] : memref<128x200xi32, #tpu.memory_space<vmem>> -> memref<1x72xi32, #tpu.memory_space<vmem>>
    %dma_start3A_38 = tpu.memref_squeeze %dma_start3A_37 : memref<1x72xi32, #tpu.memory_space<vmem>> -> memref<72xi32, #tpu.memory_space<vmem>>
    %dma_start3A_39 = arith.constant 0 : i32
    %dma_start3A_40 = arith.constant 0 : i32
    %dma_start3A_41 = tpu.memref_slice %arg3[%dma_start3A_39, %dma_start3A_40] : memref<100000x128xf32, #tpu.memory_space<hbm>> -> memref<100000x128xf32, #tpu.memory_space<hbm>>
    tpu.enqueue_indirect_dma source(%dma_start3A_41 : memref<100000x128xf32, #tpu.memory_space<hbm>>) target(%dma_start3A_35 : memref<72x128xf32, #tpu.memory_space<vmem>>) offsets(%dma_start3A_38 : memref<72xi32, #tpu.memory_space<vmem>>) semaphore(%arg11 : memref<!tpu.dma_semaphore, #tpu.memory_space<semaphore_mem>>)
    %scan3A = arith.constant 0 : i32
    %scan3A_42 = arith.constant 42 : i32
    %scan3A_43 = arith.addi %scan3A, %scan3A_42 : i32
    %scan3A_44 = arith.constant 1 : i32
    scf.for %scan3A_198 = %scan3A to %scan3A_43 step %scan3A_44  : i32 {
      %mul3A_199 = arith.constant 1 : i32
      %mul3A_200 = arith.muli %scan3A_198, %mul3A_199 : i32
      %add3A_201 = arith.constant 0 : i32
      %add3A_202 = arith.addi %add3A_201, %mul3A_200 : i32
      %mul3A_203 = arith.constant 3 : i32
      %mul3A_204 = arith.muli %mul3A_203, %add3A_202 : i32
      %add3A_205 = arith.constant 2 : i32
      %add3A_206 = arith.addi %mul3A_204, %add3A_205 : i32
      %dma_start3A_207 = arith.constant 0 : i32
      %dma_start3A_208 = arith.constant 0 : i32
      %dma_start3A_209 = tpu.memref_slice %arg8[%dma_start3A_207, %dma_start3A_208] : memref<200x128xf32, #tpu.memory_space<vmem>> -> memref<128x128xf32, #tpu.memory_space<vmem>>
      %dma_start3A_210 = arith.constant 0 : i32
      %dma_start3A_211 = tpu.memref_slice %arg5[%add3A_206, %dma_start3A_210] : memref<128x200xi32, #tpu.memory_space<vmem>> -> memref<1x128xi32, #tpu.memory_space<vmem>>
      %dma_start3A_212 = tpu.memref_squeeze %dma_start3A_211 : memref<1x128xi32, #tpu.memory_space<vmem>> -> memref<128xi32, #tpu.memory_space<vmem>>
      %dma_start3A_213 = arith.constant 0 : i32
      %dma_start3A_214 = arith.constant 0 : i32
      %dma_start3A_215 = tpu.memref_slice %arg3[%dma_start3A_213, %dma_start3A_214] : memref<100000x128xf32, #tpu.memory_space<hbm>> -> memref<100000x128xf32, #tpu.memory_space<hbm>>
      tpu.enqueue_indirect_dma source(%dma_start3A_215 : memref<100000x128xf32, #tpu.memory_space<hbm>>) target(%dma_start3A_209 : memref<128x128xf32, #tpu.memory_space<vmem>>) offsets(%dma_start3A_212 : memref<128xi32, #tpu.memory_space<vmem>>) semaphore(%arg12 : memref<!tpu.dma_semaphore, #tpu.memory_space<semaphore_mem>>)
      %dma_start3A_216 = arith.constant 128 : i32
      %dma_start3A_217 = arith.constant 0 : i32
      %dma_start3A_218 = tpu.memref_slice %arg8[%dma_start3A_216, %dma_start3A_217] : memref<200x128xf32, #tpu.memory_space<vmem>> -> memref<72x128xf32, #tpu.memory_space<vmem>>
      %dma_start3A_219 = arith.constant 128 : i32
      %dma_start3A_220 = tpu.memref_slice %arg5[%add3A_206, %dma_start3A_219] : memref<128x200xi32, #tpu.memory_space<vmem>> -> memref<1x72xi32, #tpu.memory_space<vmem>>
      %dma_start3A_221 = tpu.memref_squeeze %dma_start3A_220 : memref<1x72xi32, #tpu.memory_space<vmem>> -> memref<72xi32, #tpu.memory_space<vmem>>
      %dma_start3A_222 = arith.constant 0 : i32
      %dma_start3A_223 = arith.constant 0 : i32
      %dma_start3A_224 = tpu.memref_slice %arg3[%dma_start3A_222, %dma_start3A_223] : memref<100000x128xf32, #tpu.memory_space<hbm>> -> memref<100000x128xf32, #tpu.memory_space<hbm>>
      tpu.enqueue_indirect_dma source(%dma_start3A_224 : memref<100000x128xf32, #tpu.memory_space<hbm>>) target(%dma_start3A_218 : memref<72x128xf32, #tpu.memory_space<vmem>>) offsets(%dma_start3A_221 : memref<72xi32, #tpu.memory_space<vmem>>) semaphore(%arg12 : memref<!tpu.dma_semaphore, #tpu.memory_space<semaphore_mem>>)
      %broadcast_in_dim3A_225 = arith.constant 0.000000e+00 : f32
      %broadcast_in_dim3A_226 = vector.broadcast %broadcast_in_dim3A_225 : f32 to vector<16xf32>
      %dma_wait3A_227 = arith.constant 0 : i32
      %dma_wait3A_228 = arith.constant 0 : i32
      %dma_wait3A_229 = tpu.memref_slice %arg6[%dma_wait3A_227, %dma_wait3A_228] : memref<200x128xf32, #tpu.memory_space<vmem>> -> memref<128x128xf32, #tpu.memory_space<vmem>>
      %dma_wait3A_230 = arith.constant 0 : i32
      %dma_wait3A_231 = arith.constant 0 : i32
      %dma_wait3A_232 = tpu.memref_slice %arg3[%dma_wait3A_230, %dma_wait3A_231] : memref<100000x128xf32, #tpu.memory_space<hbm>> -> memref<128x128xf32, #tpu.memory_space<hbm>>
      %dma_wait3A_233 = arith.constant 0 : i32
      %dma_wait3A_234 = arith.constant 0 : i32
      %dma_wait3A_235 = tpu.memref_slice %arg6[%dma_wait3A_233, %dma_wait3A_234] : memref<200x128xf32, #tpu.memory_space<vmem>> -> memref<128x128xf32, #tpu.memory_space<vmem>>
      %dma_wait3A_236 = arith.constant 0 : i32
      %dma_wait3A_237 = arith.constant 0 : i32
      %dma_wait3A_238 = tpu.memref_slice %arg3[%dma_wait3A_236, %dma_wait3A_237] : memref<100000x128xf32, #tpu.memory_space<hbm>> -> memref<128x128xf32, #tpu.memory_space<hbm>>
      tpu.wait_dma2 semaphore(%arg10 : memref<!tpu.dma_semaphore, #tpu.memory_space<semaphore_mem>>) src(%dma_wait3A_238 : memref<128x128xf32, #tpu.memory_space<hbm>>) dst(%dma_wait3A_235 : memref<128x128xf32, #tpu.memory_space<vmem>>)
      %dma_wait3A_239 = arith.constant 128 : i32
      %dma_wait3A_240 = arith.constant 0 : i32
      %dma_wait3A_241 = tpu.memref_slice %arg6[%dma_wait3A_239, %dma_wait3A_240] : memref<200x128xf32, #tpu.memory_space<vmem>> -> memref<72x128xf32, #tpu.memory_space<vmem>>
      %dma_wait3A_242 = arith.constant 0 : i32
      %dma_wait3A_243 = arith.constant 0 : i32
      %dma_wait3A_244 = tpu.memref_slice %arg3[%dma_wait3A_242, %dma_wait3A_243] : memref<100000x128xf32, #tpu.memory_space<hbm>> -> memref<72x128xf32, #tpu.memory_space<hbm>>
      %dma_wait3A_245 = arith.constant 128 : i32
      %dma_wait3A_246 = arith.constant 0 : i32
      %dma_wait3A_247 = tpu.memref_slice %arg6[%dma_wait3A_245, %dma_wait3A_246] : memref<200x128xf32, #tpu.memory_space<vmem>> -> memref<72x128xf32, #tpu.memory_space<vmem>>
      %dma_wait3A_248 = arith.constant 0 : i32
      %dma_wait3A_249 = arith.constant 0 : i32
      %dma_wait3A_250 = tpu.memref_slice %arg3[%dma_wait3A_248, %dma_wait3A_249] : memref<100000x128xf32, #tpu.memory_space<hbm>> -> memref<72x128xf32, #tpu.memory_space<hbm>>
      tpu.wait_dma2 semaphore(%arg10 : memref<!tpu.dma_semaphore, #tpu.memory_space<semaphore_mem>>) src(%dma_wait3A_250 : memref<72x128xf32, #tpu.memory_space<hbm>>) dst(%dma_wait3A_247 : memref<72x128xf32, #tpu.memory_space<vmem>>)
      %parallel_loop3A_251 = arith.constant 0 : i32
      %parallel_loop3A_252 = arith.constant 200 : i32
      %parallel_loop3A_253 = arith.constant 1 : i32
      %parallel_loop3A_254:8 = scf.for %parallel_loop3A_479 = %parallel_loop3A_251 to %parallel_loop3A_252 step %parallel_loop3A_253 iter_args(%parallel_loop3A_480 = %broadcast_in_dim3A_226, %parallel_loop3A_481 = %broadcast_in_dim3A_226, %parallel_loop3A_482 = %broadcast_in_dim3A_226, %parallel_loop3A_483 = %broadcast_in_dim3A_226, %parallel_loop3A_484 = %broadcast_in_dim3A_226, %parallel_loop3A_485 = %broadcast_in_dim3A_226, %parallel_loop3A_486 = %broadcast_in_dim3A_226, %parallel_loop3A_487 = %broadcast_in_dim3A_226) -> (vector<16xf32>, vector<16xf32>, vector<16xf32>, vector<16xf32>, vector<16xf32>, vector<16xf32>, vector<16xf32>, vector<16xf32>)  : i32 {
        %parallel_loop3A_488 = arith.index_cast %parallel_loop3A_479 : i32 to index
        %parallel_loop3A_489 = arith.constant 0 : index
        %parallel_loop3A_490 = tpu.vector_load %arg6[%parallel_loop3A_488, %parallel_loop3A_489] {strides = array<i32>} : memref<200x128xf32, #tpu.memory_space<vmem>>, vector<1x16xf32>,
        %parallel_loop3A_491 = vector.shape_cast %parallel_loop3A_490 : vector<1x16xf32> to vector<16xf32>
        %parallel_loop3A_492 = arith.addf %parallel_loop3A_480, %parallel_loop3A_491 : vector<16xf32>
        %parallel_loop3A_493 = arith.index_cast %parallel_loop3A_479 : i32 to index
        %parallel_loop3A_494 = arith.constant 16 : index
        %parallel_loop3A_495 = tpu.vector_load %arg6[%parallel_loop3A_493, %parallel_loop3A_494] {strides = array<i32>} : memref<200x128xf32, #tpu.memory_space<vmem>>, vector<1x16xf32>,
        %parallel_loop3A_496 = vector.shape_cast %parallel_loop3A_495 : vector<1x16xf32> to vector<16xf32>
        %parallel_loop3A_497 = arith.addf %parallel_loop3A_481, %parallel_loop3A_496 : vector<16xf32>
        %parallel_loop3A_498 = arith.index_cast %parallel_loop3A_479 : i32 to index
        %parallel_loop3A_499 = arith.constant 32 : index
        %parallel_loop3A_500 = tpu.vector_load %arg6[%parallel_loop3A_498, %parallel_loop3A_499] {strides = array<i32>} : memref<200x128xf32, #tpu.memory_space<vmem>>, vector<1x16xf32>,
        %parallel_loop3A_501 = vector.shape_cast %parallel_loop3A_500 : vector<1x16xf32> to vector<16xf32>
        %parallel_loop3A_502 = arith.addf %parallel_loop3A_482, %parallel_loop3A_501 : vector<16xf32>
        %parallel_loop3A_503 = arith.index_cast %parallel_loop3A_479 : i32 to index
        %parallel_loop3A_504 = arith.constant 48 : index
        %parallel_loop3A_505 = tpu.vector_load %arg6[%parallel_loop3A_503, %parallel_loop3A_504] {strides = array<i32>} : memref<200x128xf32, #tpu.memory_space<vmem>>, vector<1x16xf32>,
        %parallel_loop3A_506 = vector.shape_cast %parallel_loop3A_505 : vector<1x16xf32> to vector<16xf32>
        %parallel_loop3A_507 = arith.addf %parallel_loop3A_483, %parallel_loop3A_506 : vector<16xf32>
        %parallel_loop3A_508 = arith.index_cast %parallel_loop3A_479 : i32 to index
        %parallel_loop3A_509 = arith.constant 64 : index
        %parallel_loop3A_510 = tpu.vector_load %arg6[%parallel_loop3A_508, %parallel_loop3A_509] {strides = array<i32>} : memref<200x128xf32, #tpu.memory_space<vmem>>, vector<1x16xf32>,
        %parallel_loop3A_511 = vector.shape_cast %parallel_loop3A_510 : vector<1x16xf32> to vector<16xf32>
        %parallel_loop3A_512 = arith.addf %parallel_loop3A_484, %parallel_loop3A_511 : vector<16xf32>
        %parallel_loop3A_513 = arith.index_cast %parallel_loop3A_479 : i32 to index
        %parallel_loop3A_514 = arith.constant 80 : index
        %parallel_loop3A_515 = tpu.vector_load %arg6[%parallel_loop3A_513, %parallel_loop3A_514] {strides = array<i32>} : memref<200x128xf32, #tpu.memory_space<vmem>>, vector<1x16xf32>,
        %parallel_loop3A_516 = vector.shape_cast %parallel_loop3A_515 : vector<1x16xf32> to vector<16xf32>
        %parallel_loop3A_517 = arith.addf %parallel_loop3A_485, %parallel_loop3A_516 : vector<16xf32>
        %parallel_loop3A_518 = arith.index_cast %parallel_loop3A_479 : i32 to index
        %parallel_loop3A_519 = arith.constant 96 : index
        %parallel_loop3A_520 = tpu.vector_load %arg6[%parallel_loop3A_518, %parallel_loop3A_519] {strides = array<i32>} : memref<200x128xf32, #tpu.memory_space<vmem>>, vector<1x16xf32>,
        %parallel_loop3A_521 = vector.shape_cast %parallel_loop3A_520 : vector<1x16xf32> to vector<16xf32>
        %parallel_loop3A_522 = arith.addf %parallel_loop3A_486, %parallel_loop3A_521 : vector<16xf32>
        %parallel_loop3A_523 = arith.index_cast %parallel_loop3A_479 : i32 to index
        %parallel_loop3A_524 = arith.constant 112 : index
        %parallel_loop3A_525 = tpu.vector_load %arg6[%parallel_loop3A_523, %parallel_loop3A_524] {strides = array<i32>} : memref<200x128xf32, #tpu.memory_space<vmem>>, vector<1x16xf32>,
        %parallel_loop3A_526 = vector.shape_cast %parallel_loop3A_525 : vector<1x16xf32> to vector<16xf32>
        %parallel_loop3A_527 = arith.addf %parallel_loop3A_487, %parallel_loop3A_526 : vector<16xf32>
        scf.yield %parallel_loop3A_492, %parallel_loop3A_497, %parallel_loop3A_502, %parallel_loop3A_507, %parallel_loop3A_512, %parallel_loop3A_517, %parallel_loop3A_522, %parallel_loop3A_527 : vector<16xf32>, vector<16xf32>, vector<16xf32>, vector<16xf32>, vector<16xf32>, vector<16xf32>, vector<16xf32>, vector<16xf32>
      } {sc.loop_unroll_factor = 8 : i64, sc.parallel_access}
      %swap3A_255 = arith.index_cast %mul3A_204 : i32 to index
      %swap3A_256 = arith.constant 0 : index
      %swap3A_257 = tpu.vector_load %arg9[%swap3A_255, %swap3A_256] {strides = array<i32>} : memref<128x128xf32, #tpu.memory_space<vmem>>, vector<1x16xf32>,
      %swap3A_258 = vector.shape_cast %swap3A_257 : vector<1x16xf32> to vector<16xf32>
      %swap3A_259 = vector.shape_cast %parallel_loop3A_254#0 : vector<16xf32> to vector<1x16xf32>
      tpu.vector_store %arg9[%swap3A_255, %swap3A_256], %swap3A_259 {strides = array<i32>} : memref<128x128xf32, #tpu.memory_space<vmem>>, vector<1x16xf32>,
      %swap3A_260 = arith.index_cast %mul3A_204 : i32 to index
      %swap3A_261 = arith.constant 16 : index
      %swap3A_262 = tpu.vector_load %arg9[%swap3A_260, %swap3A_261] {strides = array<i32>} : memref<128x128xf32, #tpu.memory_space<vmem>>, vector<1x16xf32>,
      %swap3A_263 = vector.shape_cast %swap3A_262 : vector<1x16xf32> to vector<16xf32>
      %swap3A_264 = vector.shape_cast %parallel_loop3A_254#1 : vector<16xf32> to vector<1x16xf32>
      tpu.vector_store %arg9[%swap3A_260, %swap3A_261], %swap3A_264 {strides = array<i32>} : memref<128x128xf32, #tpu.memory_space<vmem>>, vector<1x16xf32>,
      %swap3A_265 = arith.index_cast %mul3A_204 : i32 to index
      %swap3A_266 = arith.constant 32 : index
      %swap3A_267 = tpu.vector_load %arg9[%swap3A_265, %swap3A_266] {strides = array<i32>} : memref<128x128xf32, #tpu.memory_space<vmem>>, vector<1x16xf32>,
      %swap3A_268 = vector.shape_cast %swap3A_267 : vector<1x16xf32> to vector<16xf32>
      %swap3A_269 = vector.shape_cast %parallel_loop3A_254#2 : vector<16xf32> to vector<1x16xf32>
      tpu.vector_store %arg9[%swap3A_265, %swap3A_266], %swap3A_269 {strides = array<i32>} : memref<128x128xf32, #tpu.memory_space<vmem>>, vector<1x16xf32>,
      %swap3A_270 = arith.index_cast %mul3A_204 : i32 to index
      %swap3A_271 = arith.constant 48 : index
      %swap3A_272 = tpu.vector_load %arg9[%swap3A_270, %swap3A_271] {strides = array<i32>} : memref<128x128xf32, #tpu.memory_space<vmem>>, vector<1x16xf32>,
      %swap3A_273 = vector.shape_cast %swap3A_272 : vector<1x16xf32> to vector<16xf32>
      %swap3A_274 = vector.shape_cast %parallel_loop3A_254#3 : vector<16xf32> to vector<1x16xf32>
      tpu.vector_store %arg9[%swap3A_270, %swap3A_271], %swap3A_274 {strides = array<i32>} : memref<128x128xf32, #tpu.memory_space<vmem>>, vector<1x16xf32>,
      %swap3A_275 = arith.index_cast %mul3A_204 : i32 to index
      %swap3A_276 = arith.constant 64 : index
      %swap3A_277 = tpu.vector_load %arg9[%swap3A_275, %swap3A_276] {strides = array<i32>} : memref<128x128xf32, #tpu.memory_space<vmem>>, vector<1x16xf32>,
      %swap3A_278 = vector.shape_cast %swap3A_277 : vector<1x16xf32> to vector<16xf32>
      %swap3A_279 = vector.shape_cast %parallel_loop3A_254#4 : vector<16xf32> to vector<1x16xf32>
      tpu.vector_store %arg9[%swap3A_275, %swap3A_276], %swap3A_279 {strides = array<i32>} : memref<128x128xf32, #tpu.memory_space<vmem>>, vector<1x16xf32>,
      %swap3A_280 = arith.index_cast %mul3A_204 : i32 to index
      %swap3A_281 = arith.constant 80 : index
      %swap3A_282 = tpu.vector_load %arg9[%swap3A_280, %swap3A_281] {strides = array<i32>} : memref<128x128xf32, #tpu.memory_space<vmem>>, vector<1x16xf32>,
      %swap3A_283 = vector.shape_cast %swap3A_282 : vector<1x16xf32> to vector<16xf32>
      %swap3A_284 = vector.shape_cast %parallel_loop3A_254#5 : vector<16xf32> to vector<1x16xf32>
      tpu.vector_store %arg9[%swap3A_280, %swap3A_281], %swap3A_284 {strides = array<i32>} : memref<128x128xf32, #tpu.memory_space<vmem>>, vector<1x16xf32>,
      %swap3A_285 = arith.index_cast %mul3A_204 : i32 to index
      %swap3A_286 = arith.constant 96 : index
      %swap3A_287 = tpu.vector_load %arg9[%swap3A_285, %swap3A_286] {strides = array<i32>} : memref<128x128xf32, #tpu.memory_space<vmem>>, vector<1x16xf32>,
      %swap3A_288 = vector.shape_cast %swap3A_287 : vector<1x16xf32> to vector<16xf32>
      %swap3A_289 = vector.shape_cast %parallel_loop3A_254#6 : vector<16xf32> to vector<1x16xf32>
      tpu.vector_store %arg9[%swap3A_285, %swap3A_286], %swap3A_289 {strides = array<i32>} : memref<128x128xf32, #tpu.memory_space<vmem>>, vector<1x16xf32>,
      %swap3A_290 = arith.index_cast %mul3A_204 : i32 to index
      %swap3A_291 = arith.constant 112 : index
      %swap3A_292 = tpu.vector_load %arg9[%swap3A_290, %swap3A_291] {strides = array<i32>} : memref<128x128xf32, #tpu.memory_space<vmem>>, vector<1x16xf32>,
      %swap3A_293 = vector.shape_cast %swap3A_292 : vector<1x16xf32> to vector<16xf32>
      %swap3A_294 = vector.shape_cast %parallel_loop3A_254#7 : vector<16xf32> to vector<1x16xf32>
      tpu.vector_store %arg9[%swap3A_290, %swap3A_291], %swap3A_294 {strides = array<i32>} : memref<128x128xf32, #tpu.memory_space<vmem>>, vector<1x16xf32>,
      %add3A_295 = arith.constant 3 : i32
      %add3A_296 = arith.addi %mul3A_204, %add3A_295 : i32
      %dma_start3A_297 = arith.constant 0 : i32
      %dma_start3A_298 = arith.constant 0 : i32
      %dma_start3A_299 = tpu.memref_slice %arg6[%dma_start3A_297, %dma_start3A_298] : memref<200x128xf32, #tpu.memory_space<vmem>> -> memref<128x128xf32, #tpu.memory_space<vmem>>
      %dma_start3A_300 = arith.constant 0 : i32
      %dma_start3A_301 = tpu.memref_slice %arg5[%add3A_296, %dma_start3A_300] : memref<128x200xi32, #tpu.memory_space<vmem>> -> memref<1x128xi32, #tpu.memory_space<vmem>>
      %dma_start3A_302 = tpu.memref_squeeze %dma_start3A_301 : memref<1x128xi32, #tpu.memory_space<vmem>> -> memref<128xi32, #tpu.memory_space<vmem>>
      %dma_start3A_303 = arith.constant 0 : i32
      %dma_start3A_304 = arith.constant 0 : i32
      %dma_start3A_305 = tpu.memref_slice %arg3[%dma_start3A_303, %dma_start3A_304] : memref<100000x128xf32, #tpu.memory_space<hbm>> -> memref<100000x128xf32, #tpu.memory_space<hbm>>
      tpu.enqueue_indirect_dma source(%dma_start3A_305 : memref<100000x128xf32, #tpu.memory_space<hbm>>) target(%dma_start3A_299 : memref<128x128xf32, #tpu.memory_space<vmem>>) offsets(%dma_start3A_302 : memref<128xi32, #tpu.memory_space<vmem>>) semaphore(%arg10 : memref<!tpu.dma_semaphore, #tpu.memory_space<semaphore_mem>>)
      %dma_start3A_306 = arith.constant 128 : i32
      %dma_start3A_307 = arith.constant 0 : i32
      %dma_start3A_308 = tpu.memref_slice %arg6[%dma_start3A_306, %dma_start3A_307] : memref<200x128xf32, #tpu.memory_space<vmem>> -> memref<72x128xf32, #tpu.memory_space<vmem>>
      %dma_start3A_309 = arith.constant 128 : i32
      %dma_start3A_310 = tpu.memref_slice %arg5[%add3A_296, %dma_start3A_309] : memref<128x200xi32, #tpu.memory_space<vmem>> -> memref<1x72xi32, #tpu.memory_space<vmem>>
      %dma_start3A_311 = tpu.memref_squeeze %dma_start3A_310 : memref<1x72xi32, #tpu.memory_space<vmem>> -> memref<72xi32, #tpu.memory_space<vmem>>
      %dma_start3A_312 = arith.constant 0 : i32
      %dma_start3A_313 = arith.constant 0 : i32
      %dma_start3A_314 = tpu.memref_slice %arg3[%dma_start3A_312, %dma_start3A_313] : memref<100000x128xf32, #tpu.memory_space<hbm>> -> memref<100000x128xf32, #tpu.memory_space<hbm>>
      tpu.enqueue_indirect_dma source(%dma_start3A_314 : memref<100000x128xf32, #tpu.memory_space<hbm>>) target(%dma_start3A_308 : memref<72x128xf32, #tpu.memory_space<vmem>>) offsets(%dma_start3A_311 : memref<72xi32, #tpu.memory_space<vmem>>) semaphore(%arg10 : memref<!tpu.dma_semaphore, #tpu.memory_space<semaphore_mem>>)
      %add3A_315 = arith.constant 1 : i32
      %add3A_316 = arith.addi %mul3A_204, %add3A_315 : i32
      %broadcast_in_dim3A_317 = arith.constant 0.000000e+00 : f32
      %broadcast_in_dim3A_318 = vector.broadcast %broadcast_in_dim3A_317 : f32 to vector<16xf32>
      %dma_wait3A_319 = arith.constant 0 : i32
      %dma_wait3A_320 = arith.constant 0 : i32
      %dma_wait3A_321 = tpu.memref_slice %arg7[%dma_wait3A_319, %dma_wait3A_320] : memref<200x128xf32, #tpu.memory_space<vmem>> -> memref<128x128xf32, #tpu.memory_space<vmem>>
      %dma_wait3A_322 = arith.constant 0 : i32
      %dma_wait3A_323 = arith.constant 0 : i32
      %dma_wait3A_324 = tpu.memref_slice %arg3[%dma_wait3A_322, %dma_wait3A_323] : memref<100000x128xf32, #tpu.memory_space<hbm>> -> memref<128x128xf32, #tpu.memory_space<hbm>>
      %dma_wait3A_325 = arith.constant 0 : i32
      %dma_wait3A_326 = arith.constant 0 : i32
      %dma_wait3A_327 = tpu.memref_slice %arg7[%dma_wait3A_325, %dma_wait3A_326] : memref<200x128xf32, #tpu.memory_space<vmem>> -> memref<128x128xf32, #tpu.memory_space<vmem>>
      %dma_wait3A_328 = arith.constant 0 : i32
      %dma_wait3A_329 = arith.constant 0 : i32
      %dma_wait3A_330 = tpu.memref_slice %arg3[%dma_wait3A_328, %dma_wait3A_329] : memref<100000x128xf32, #tpu.memory_space<hbm>> -> memref<128x128xf32, #tpu.memory_space<hbm>>
      tpu.wait_dma2 semaphore(%arg11 : memref<!tpu.dma_semaphore, #tpu.memory_space<semaphore_mem>>) src(%dma_wait3A_330 : memref<128x128xf32, #tpu.memory_space<hbm>>) dst(%dma_wait3A_327 : memref<128x128xf32, #tpu.memory_space<vmem>>)
      %dma_wait3A_331 = arith.constant 128 : i32
      %dma_wait3A_332 = arith.constant 0 : i32
      %dma_wait3A_333 = tpu.memref_slice %arg7[%dma_wait3A_331, %dma_wait3A_332] : memref<200x128xf32, #tpu.memory_space<vmem>> -> memref<72x128xf32, #tpu.memory_space<vmem>>
      %dma_wait3A_334 = arith.constant 0 : i32
      %dma_wait3A_335 = arith.constant 0 : i32
      %dma_wait3A_336 = tpu.memref_slice %arg3[%dma_wait3A_334, %dma_wait3A_335] : memref<100000x128xf32, #tpu.memory_space<hbm>> -> memref<72x128xf32, #tpu.memory_space<hbm>>
      %dma_wait3A_337 = arith.constant 128 : i32
      %dma_wait3A_338 = arith.constant 0 : i32
      %dma_wait3A_339 = tpu.memref_slice %arg7[%dma_wait3A_337, %dma_wait3A_338] : memref<200x128xf32, #tpu.memory_space<vmem>> -> memref<72x128xf32, #tpu.memory_space<vmem>>
      %dma_wait3A_340 = arith.constant 0 : i32
      %dma_wait3A_341 = arith.constant 0 : i32
      %dma_wait3A_342 = tpu.memref_slice %arg3[%dma_wait3A_340, %dma_wait3A_341] : memref<100000x128xf32, #tpu.memory_space<hbm>> -> memref<72x128xf32, #tpu.memory_space<hbm>>
      tpu.wait_dma2 semaphore(%arg11 : memref<!tpu.dma_semaphore, #tpu.memory_space<semaphore_mem>>) src(%dma_wait3A_342 : memref<72x128xf32, #tpu.memory_space<hbm>>) dst(%dma_wait3A_339 : memref<72x128xf32, #tpu.memory_space<vmem>>)
      %parallel_loop3A_343 = arith.constant 0 : i32
      %parallel_loop3A_344 = arith.constant 200 : i32
      %parallel_loop3A_345 = arith.constant 1 : i32
      %parallel_loop3A_346:8 = scf.for %parallel_loop3A_479 = %parallel_loop3A_343 to %parallel_loop3A_344 step %parallel_loop3A_345 iter_args(%parallel_loop3A_480 = %broadcast_in_dim3A_318, %parallel_loop3A_481 = %broadcast_in_dim3A_318, %parallel_loop3A_482 = %broadcast_in_dim3A_318, %parallel_loop3A_483 = %broadcast_in_dim3A_318, %parallel_loop3A_484 = %broadcast_in_dim3A_318, %parallel_loop3A_485 = %broadcast_in_dim3A_318, %parallel_loop3A_486 = %broadcast_in_dim3A_318, %parallel_loop3A_487 = %broadcast_in_dim3A_318) -> (vector<16xf32>, vector<16xf32>, vector<16xf32>, vector<16xf32>, vector<16xf32>, vector<16xf32>, vector<16xf32>, vector<16xf32>)  : i32 {
        %parallel_loop3A_488 = arith.index_cast %parallel_loop3A_479 : i32 to index
        %parallel_loop3A_489 = arith.constant 0 : index
        %parallel_loop3A_490 = tpu.vector_load %arg7[%parallel_loop3A_488, %parallel_loop3A_489] {strides = array<i32>} : memref<200x128xf32, #tpu.memory_space<vmem>>, vector<1x16xf32>,
        %parallel_loop3A_491 = vector.shape_cast %parallel_loop3A_490 : vector<1x16xf32> to vector<16xf32>
        %parallel_loop3A_492 = arith.addf %parallel_loop3A_480, %parallel_loop3A_491 : vector<16xf32>
        %parallel_loop3A_493 = arith.index_cast %parallel_loop3A_479 : i32 to index
        %parallel_loop3A_494 = arith.constant 16 : index
        %parallel_loop3A_495 = tpu.vector_load %arg7[%parallel_loop3A_493, %parallel_loop3A_494] {strides = array<i32>} : memref<200x128xf32, #tpu.memory_space<vmem>>, vector<1x16xf32>,
        %parallel_loop3A_496 = vector.shape_cast %parallel_loop3A_495 : vector<1x16xf32> to vector<16xf32>
        %parallel_loop3A_497 = arith.addf %parallel_loop3A_481, %parallel_loop3A_496 : vector<16xf32>
        %parallel_loop3A_498 = arith.index_cast %parallel_loop3A_479 : i32 to index
        %parallel_loop3A_499 = arith.constant 32 : index
        %parallel_loop3A_500 = tpu.vector_load %arg7[%parallel_loop3A_498, %parallel_loop3A_499] {strides = array<i32>} : memref<200x128xf32, #tpu.memory_space<vmem>>, vector<1x16xf32>,
        %parallel_loop3A_501 = vector.shape_cast %parallel_loop3A_500 : vector<1x16xf32> to vector<16xf32>
        %parallel_loop3A_502 = arith.addf %parallel_loop3A_482, %parallel_loop3A_501 : vector<16xf32>
        %parallel_loop3A_503 = arith.index_cast %parallel_loop3A_479 : i32 to index
        %parallel_loop3A_504 = arith.constant 48 : index
        %parallel_loop3A_505 = tpu.vector_load %arg7[%parallel_loop3A_503, %parallel_loop3A_504] {strides = array<i32>} : memref<200x128xf32, #tpu.memory_space<vmem>>, vector<1x16xf32>,
        %parallel_loop3A_506 = vector.shape_cast %parallel_loop3A_505 : vector<1x16xf32> to vector<16xf32>
        %parallel_loop3A_507 = arith.addf %parallel_loop3A_483, %parallel_loop3A_506 : vector<16xf32>
        %parallel_loop3A_508 = arith.index_cast %parallel_loop3A_479 : i32 to index
        %parallel_loop3A_509 = arith.constant 64 : index
        %parallel_loop3A_510 = tpu.vector_load %arg7[%parallel_loop3A_508, %parallel_loop3A_509] {strides = array<i32>} : memref<200x128xf32, #tpu.memory_space<vmem>>, vector<1x16xf32>,
        %parallel_loop3A_511 = vector.shape_cast %parallel_loop3A_510 : vector<1x16xf32> to vector<16xf32>
        %parallel_loop3A_512 = arith.addf %parallel_loop3A_484, %parallel_loop3A_511 : vector<16xf32>
        %parallel_loop3A_513 = arith.index_cast %parallel_loop3A_479 : i32 to index
        %parallel_loop3A_514 = arith.constant 80 : index
        %parallel_loop3A_515 = tpu.vector_load %arg7[%parallel_loop3A_513, %parallel_loop3A_514] {strides = array<i32>} : memref<200x128xf32, #tpu.memory_space<vmem>>, vector<1x16xf32>,
        %parallel_loop3A_516 = vector.shape_cast %parallel_loop3A_515 : vector<1x16xf32> to vector<16xf32>
        %parallel_loop3A_517 = arith.addf %parallel_loop3A_485, %parallel_loop3A_516 : vector<16xf32>
        %parallel_loop3A_518 = arith.index_cast %parallel_loop3A_479 : i32 to index
        %parallel_loop3A_519 = arith.constant 96 : index
        %parallel_loop3A_520 = tpu.vector_load %arg7[%parallel_loop3A_518, %parallel_loop3A_519] {strides = array<i32>} : memref<200x128xf32, #tpu.memory_space<vmem>>, vector<1x16xf32>,
        %parallel_loop3A_521 = vector.shape_cast %parallel_loop3A_520 : vector<1x16xf32> to vector<16xf32>
        %parallel_loop3A_522 = arith.addf %parallel_loop3A_486, %parallel_loop3A_521 : vector<16xf32>
        %parallel_loop3A_523 = arith.index_cast %parallel_loop3A_479 : i32 to index
        %parallel_loop3A_524 = arith.constant 112 : index
        %parallel_loop3A_525 = tpu.vector_load %arg7[%parallel_loop3A_523, %parallel_loop3A_524] {strides = array<i32>} : memref<200x128xf32, #tpu.memory_space<vmem>>, vector<1x16xf32>,
        %parallel_loop3A_526 = vector.shape_cast %parallel_loop3A_525 : vector<1x16xf32> to vector<16xf32>
        %parallel_loop3A_527 = arith.addf %parallel_loop3A_487, %parallel_loop3A_526 : vector<16xf32>
        scf.yield %parallel_loop3A_492, %parallel_loop3A_497, %parallel_loop3A_502, %parallel_loop3A_507, %parallel_loop3A_512, %parallel_loop3A_517, %parallel_loop3A_522, %parallel_loop3A_527 : vector<16xf32>, vector<16xf32>, vector<16xf32>, vector<16xf32>, vector<16xf32>, vector<16xf32>, vector<16xf32>, vector<16xf32>
      } {sc.loop_unroll_factor = 8 : i64, sc.parallel_access}
      %swap3A_347 = arith.index_cast %add3A_316 : i32 to index
      %swap3A_348 = arith.constant 0 : index
      %swap3A_349 = tpu.vector_load %arg9[%swap3A_347, %swap3A_348] {strides = array<i32>} : memref<128x128xf32, #tpu.memory_space<vmem>>, vector<1x16xf32>,
      %swap3A_350 = vector.shape_cast %swap3A_349 : vector<1x16xf32> to vector<16xf32>
      %swap3A_351 = vector.shape_cast %parallel_loop3A_346#0 : vector<16xf32> to vector<1x16xf32>
      tpu.vector_store %arg9[%swap3A_347, %swap3A_348], %swap3A_351 {strides = array<i32>} : memref<128x128xf32, #tpu.memory_space<vmem>>, vector<1x16xf32>,
      %swap3A_352 = arith.index_cast %add3A_316 : i32 to index
      %swap3A_353 = arith.constant 16 : index
      %swap3A_354 = tpu.vector_load %arg9[%swap3A_352, %swap3A_353] {strides = array<i32>} : memref<128x128xf32, #tpu.memory_space<vmem>>, vector<1x16xf32>,
      %swap3A_355 = vector.shape_cast %swap3A_354 : vector<1x16xf32> to vector<16xf32>
      %swap3A_356 = vector.shape_cast %parallel_loop3A_346#1 : vector<16xf32> to vector<1x16xf32>
      tpu.vector_store %arg9[%swap3A_352, %swap3A_353], %swap3A_356 {strides = array<i32>} : memref<128x128xf32, #tpu.memory_space<vmem>>, vector<1x16xf32>,
      %swap3A_357 = arith.index_cast %add3A_316 : i32 to index
      %swap3A_358 = arith.constant 32 : index
      %swap3A_359 = tpu.vector_load %arg9[%swap3A_357, %swap3A_358] {strides = array<i32>} : memref<128x128xf32, #tpu.memory_space<vmem>>, vector<1x16xf32>,
      %swap3A_360 = vector.shape_cast %swap3A_359 : vector<1x16xf32> to vector<16xf32>
      %swap3A_361 = vector.shape_cast %parallel_loop3A_346#2 : vector<16xf32> to vector<1x16xf32>
      tpu.vector_store %arg9[%swap3A_357, %swap3A_358], %swap3A_361 {strides = array<i32>} : memref<128x128xf32, #tpu.memory_space<vmem>>, vector<1x16xf32>,
      %swap3A_362 = arith.index_cast %add3A_316 : i32 to index
      %swap3A_363 = arith.constant 48 : index
      %swap3A_364 = tpu.vector_load %arg9[%swap3A_362, %swap3A_363] {strides = array<i32>} : memref<128x128xf32, #tpu.memory_space<vmem>>, vector<1x16xf32>,
      %swap3A_365 = vector.shape_cast %swap3A_364 : vector<1x16xf32> to vector<16xf32>
      %swap3A_366 = vector.shape_cast %parallel_loop3A_346#3 : vector<16xf32> to vector<1x16xf32>
      tpu.vector_store %arg9[%swap3A_362, %swap3A_363], %swap3A_366 {strides = array<i32>} : memref<128x128xf32, #tpu.memory_space<vmem>>, vector<1x16xf32>,
      %swap3A_367 = arith.index_cast %add3A_316 : i32 to index
      %swap3A_368 = arith.constant 64 : index
      %swap3A_369 = tpu.vector_load %arg9[%swap3A_367, %swap3A_368] {strides = array<i32>} : memref<128x128xf32, #tpu.memory_space<vmem>>, vector<1x16xf32>,
      %swap3A_370 = vector.shape_cast %swap3A_369 : vector<1x16xf32> to vector<16xf32>
      %swap3A_371 = vector.shape_cast %parallel_loop3A_346#4 : vector<16xf32> to vector<1x16xf32>
      tpu.vector_store %arg9[%swap3A_367, %swap3A_368], %swap3A_371 {strides = array<i32>} : memref<128x128xf32, #tpu.memory_space<vmem>>, vector<1x16xf32>,
      %swap3A_372 = arith.index_cast %add3A_316 : i32 to index
      %swap3A_373 = arith.constant 80 : index
      %swap3A_374 = tpu.vector_load %arg9[%swap3A_372, %swap3A_373] {strides = array<i32>} : memref<128x128xf32, #tpu.memory_space<vmem>>, vector<1x16xf32>,
      %swap3A_375 = vector.shape_cast %swap3A_374 : vector<1x16xf32> to vector<16xf32>
      %swap3A_376 = vector.shape_cast %parallel_loop3A_346#5 : vector<16xf32> to vector<1x16xf32>
      tpu.vector_store %arg9[%swap3A_372, %swap3A_373], %swap3A_376 {strides = array<i32>} : memref<128x128xf32, #tpu.memory_space<vmem>>, vector<1x16xf32>,
      %swap3A_377 = arith.index_cast %add3A_316 : i32 to index
      %swap3A_378 = arith.constant 96 : index
      %swap3A_379 = tpu.vector_load %arg9[%swap3A_377, %swap3A_378] {strides = array<i32>} : memref<128x128xf32, #tpu.memory_space<vmem>>, vector<1x16xf32>,
      %swap3A_380 = vector.shape_cast %swap3A_379 : vector<1x16xf32> to vector<16xf32>
      %swap3A_381 = vector.shape_cast %parallel_loop3A_346#6 : vector<16xf32> to vector<1x16xf32>
      tpu.vector_store %arg9[%swap3A_377, %swap3A_378], %swap3A_381 {strides = array<i32>} : memref<128x128xf32, #tpu.memory_space<vmem>>, vector<1x16xf32>,
      %swap3A_382 = arith.index_cast %add3A_316 : i32 to index
      %swap3A_383 = arith.constant 112 : index
      %swap3A_384 = tpu.vector_load %arg9[%swap3A_382, %swap3A_383] {strides = array<i32>} : memref<128x128xf32, #tpu.memory_space<vmem>>, vector<1x16xf32>,
      %swap3A_385 = vector.shape_cast %swap3A_384 : vector<1x16xf32> to vector<16xf32>
      %swap3A_386 = vector.shape_cast %parallel_loop3A_346#7 : vector<16xf32> to vector<1x16xf32>
      tpu.vector_store %arg9[%swap3A_382, %swap3A_383], %swap3A_386 {strides = array<i32>} : memref<128x128xf32, #tpu.memory_space<vmem>>, vector<1x16xf32>,
      %add3A_387 = arith.constant 4 : i32
      %add3A_388 = arith.addi %mul3A_204, %add3A_387 : i32
      %dma_start3A_389 = arith.constant 0 : i32
      %dma_start3A_390 = arith.constant 0 : i32
      %dma_start3A_391 = tpu.memref_slice %arg7[%dma_start3A_389, %dma_start3A_390] : memref<200x128xf32, #tpu.memory_space<vmem>> -> memref<128x128xf32, #tpu.memory_space<vmem>>
      %dma_start3A_392 = arith.constant 0 : i32
      %dma_start3A_393 = tpu.memref_slice %arg5[%add3A_388, %dma_start3A_392] : memref<128x200xi32, #tpu.memory_space<vmem>> -> memref<1x128xi32, #tpu.memory_space<vmem>>
      %dma_start3A_394 = tpu.memref_squeeze %dma_start3A_393 : memref<1x128xi32, #tpu.memory_space<vmem>> -> memref<128xi32, #tpu.memory_space<vmem>>
      %dma_start3A_395 = arith.constant 0 : i32
      %dma_start3A_396 = arith.constant 0 : i32
      %dma_start3A_397 = tpu.memref_slice %arg3[%dma_start3A_395, %dma_start3A_396] : memref<100000x128xf32, #tpu.memory_space<hbm>> -> memref<100000x128xf32, #tpu.memory_space<hbm>>
      tpu.enqueue_indirect_dma source(%dma_start3A_397 : memref<100000x128xf32, #tpu.memory_space<hbm>>) target(%dma_start3A_391 : memref<128x128xf32, #tpu.memory_space<vmem>>) offsets(%dma_start3A_394 : memref<128xi32, #tpu.memory_space<vmem>>) semaphore(%arg11 : memref<!tpu.dma_semaphore, #tpu.memory_space<semaphore_mem>>)
      %dma_start3A_398 = arith.constant 128 : i32
      %dma_start3A_399 = arith.constant 0 : i32
      %dma_start3A_400 = tpu.memref_slice %arg7[%dma_start3A_398, %dma_start3A_399] : memref<200x128xf32, #tpu.memory_space<vmem>> -> memref<72x128xf32, #tpu.memory_space<vmem>>
      %dma_start3A_401 = arith.constant 128 : i32
      %dma_start3A_402 = tpu.memref_slice %arg5[%add3A_388, %dma_start3A_401] : memref<128x200xi32, #tpu.memory_space<vmem>> -> memref<1x72xi32, #tpu.memory_space<vmem>>
      %dma_start3A_403 = tpu.memref_squeeze %dma_start3A_402 : memref<1x72xi32, #tpu.memory_space<vmem>> -> memref<72xi32, #tpu.memory_space<vmem>>
      %dma_start3A_404 = arith.constant 0 : i32
      %dma_start3A_405 = arith.constant 0 : i32
      %dma_start3A_406 = tpu.memref_slice %arg3[%dma_start3A_404, %dma_start3A_405] : memref<100000x128xf32, #tpu.memory_space<hbm>> -> memref<100000x128xf32, #tpu.memory_space<hbm>>
      tpu.enqueue_indirect_dma source(%dma_start3A_406 : memref<100000x128xf32, #tpu.memory_space<hbm>>) target(%dma_start3A_400 : memref<72x128xf32, #tpu.memory_space<vmem>>) offsets(%dma_start3A_403 : memref<72xi32, #tpu.memory_space<vmem>>) semaphore(%arg11 : memref<!tpu.dma_semaphore, #tpu.memory_space<semaphore_mem>>)
      %add3A_407 = arith.constant 2 : i32
      %add3A_408 = arith.addi %mul3A_204, %add3A_407 : i32
      %broadcast_in_dim3A_409 = arith.constant 0.000000e+00 : f32
      %broadcast_in_dim3A_410 = vector.broadcast %broadcast_in_dim3A_409 : f32 to vector<16xf32>
      %dma_wait3A_411 = arith.constant 0 : i32
      %dma_wait3A_412 = arith.constant 0 : i32
      %dma_wait3A_413 = tpu.memref_slice %arg8[%dma_wait3A_411, %dma_wait3A_412] : memref<200x128xf32, #tpu.memory_space<vmem>> -> memref<128x128xf32, #tpu.memory_space<vmem>>
      %dma_wait3A_414 = arith.constant 0 : i32
      %dma_wait3A_415 = arith.constant 0 : i32
      %dma_wait3A_416 = tpu.memref_slice %arg3[%dma_wait3A_414, %dma_wait3A_415] : memref<100000x128xf32, #tpu.memory_space<hbm>> -> memref<128x128xf32, #tpu.memory_space<hbm>>
      %dma_wait3A_417 = arith.constant 0 : i32
      %dma_wait3A_418 = arith.constant 0 : i32
      %dma_wait3A_419 = tpu.memref_slice %arg8[%dma_wait3A_417, %dma_wait3A_418] : memref<200x128xf32, #tpu.memory_space<vmem>> -> memref<128x128xf32, #tpu.memory_space<vmem>>
      %dma_wait3A_420 = arith.constant 0 : i32
      %dma_wait3A_421 = arith.constant 0 : i32
      %dma_wait3A_422 = tpu.memref_slice %arg3[%dma_wait3A_420, %dma_wait3A_421] : memref<100000x128xf32, #tpu.memory_space<hbm>> -> memref<128x128xf32, #tpu.memory_space<hbm>>
      tpu.wait_dma2 semaphore(%arg12 : memref<!tpu.dma_semaphore, #tpu.memory_space<semaphore_mem>>) src(%dma_wait3A_422 : memref<128x128xf32, #tpu.memory_space<hbm>>) dst(%dma_wait3A_419 : memref<128x128xf32, #tpu.memory_space<vmem>>)
      %dma_wait3A_423 = arith.constant 128 : i32
      %dma_wait3A_424 = arith.constant 0 : i32
      %dma_wait3A_425 = tpu.memref_slice %arg8[%dma_wait3A_423, %dma_wait3A_424] : memref<200x128xf32, #tpu.memory_space<vmem>> -> memref<72x128xf32, #tpu.memory_space<vmem>>
      %dma_wait3A_426 = arith.constant 0 : i32
      %dma_wait3A_427 = arith.constant 0 : i32
      %dma_wait3A_428 = tpu.memref_slice %arg3[%dma_wait3A_426, %dma_wait3A_427] : memref<100000x128xf32, #tpu.memory_space<hbm>> -> memref<72x128xf32, #tpu.memory_space<hbm>>
      %dma_wait3A_429 = arith.constant 128 : i32
      %dma_wait3A_430 = arith.constant 0 : i32
      %dma_wait3A_431 = tpu.memref_slice %arg8[%dma_wait3A_429, %dma_wait3A_430] : memref<200x128xf32, #tpu.memory_space<vmem>> -> memref<72x128xf32, #tpu.memory_space<vmem>>
      %dma_wait3A_432 = arith.constant 0 : i32
      %dma_wait3A_433 = arith.constant 0 : i32
      %dma_wait3A_434 = tpu.memref_slice %arg3[%dma_wait3A_432, %dma_wait3A_433] : memref<100000x128xf32, #tpu.memory_space<hbm>> -> memref<72x128xf32, #tpu.memory_space<hbm>>
      tpu.wait_dma2 semaphore(%arg12 : memref<!tpu.dma_semaphore, #tpu.memory_space<semaphore_mem>>) src(%dma_wait3A_434 : memref<72x128xf32, #tpu.memory_space<hbm>>) dst(%dma_wait3A_431 : memref<72x128xf32, #tpu.memory_space<vmem>>)
      %parallel_loop3A_435 = arith.constant 0 : i32
      %parallel_loop3A_436 = arith.constant 200 : i32
      %parallel_loop3A_437 = arith.constant 1 : i32
      %parallel_loop3A_438:8 = scf.for %parallel_loop3A_479 = %parallel_loop3A_435 to %parallel_loop3A_436 step %parallel_loop3A_437 iter_args(%parallel_loop3A_480 = %broadcast_in_dim3A_410, %parallel_loop3A_481 = %broadcast_in_dim3A_410, %parallel_loop3A_482 = %broadcast_in_dim3A_410, %parallel_loop3A_483 = %broadcast_in_dim3A_410, %parallel_loop3A_484 = %broadcast_in_dim3A_410, %parallel_loop3A_485 = %broadcast_in_dim3A_410, %parallel_loop3A_486 = %broadcast_in_dim3A_410, %parallel_loop3A_487 = %broadcast_in_dim3A_410) -> (vector<16xf32>, vector<16xf32>, vector<16xf32>, vector<16xf32>, vector<16xf32>, vector<16xf32>, vector<16xf32>, vector<16xf32>)  : i32 {
        %parallel_loop3A_488 = arith.index_cast %parallel_loop3A_479 : i32 to index
        %parallel_loop3A_489 = arith.constant 0 : index
        %parallel_loop3A_490 = tpu.vector_load %arg8[%parallel_loop3A_488, %parallel_loop3A_489] {strides = array<i32>} : memref<200x128xf32, #tpu.memory_space<vmem>>, vector<1x16xf32>,
        %parallel_loop3A_491 = vector.shape_cast %parallel_loop3A_490 : vector<1x16xf32> to vector<16xf32>
        %parallel_loop3A_492 = arith.addf %parallel_loop3A_480, %parallel_loop3A_491 : vector<16xf32>
        %parallel_loop3A_493 = arith.index_cast %parallel_loop3A_479 : i32 to index
        %parallel_loop3A_494 = arith.constant 16 : index
        %parallel_loop3A_495 = tpu.vector_load %arg8[%parallel_loop3A_493, %parallel_loop3A_494] {strides = array<i32>} : memref<200x128xf32, #tpu.memory_space<vmem>>, vector<1x16xf32>,
        %parallel_loop3A_496 = vector.shape_cast %parallel_loop3A_495 : vector<1x16xf32> to vector<16xf32>
        %parallel_loop3A_497 = arith.addf %parallel_loop3A_481, %parallel_loop3A_496 : vector<16xf32>
        %parallel_loop3A_498 = arith.index_cast %parallel_loop3A_479 : i32 to index
        %parallel_loop3A_499 = arith.constant 32 : index
        %parallel_loop3A_500 = tpu.vector_load %arg8[%parallel_loop3A_498, %parallel_loop3A_499] {strides = array<i32>} : memref<200x128xf32, #tpu.memory_space<vmem>>, vector<1x16xf32>,
        %parallel_loop3A_501 = vector.shape_cast %parallel_loop3A_500 : vector<1x16xf32> to vector<16xf32>
        %parallel_loop3A_502 = arith.addf %parallel_loop3A_482, %parallel_loop3A_501 : vector<16xf32>
        %parallel_loop3A_503 = arith.index_cast %parallel_loop3A_479 : i32 to index
        %parallel_loop3A_504 = arith.constant 48 : index
        %parallel_loop3A_505 = tpu.vector_load %arg8[%parallel_loop3A_503, %parallel_loop3A_504] {strides = array<i32>} : memref<200x128xf32, #tpu.memory_space<vmem>>, vector<1x16xf32>,
        %parallel_loop3A_506 = vector.shape_cast %parallel_loop3A_505 : vector<1x16xf32> to vector<16xf32>
        %parallel_loop3A_507 = arith.addf %parallel_loop3A_483, %parallel_loop3A_506 : vector<16xf32>
        %parallel_loop3A_508 = arith.index_cast %parallel_loop3A_479 : i32 to index
        %parallel_loop3A_509 = arith.constant 64 : index
        %parallel_loop3A_510 = tpu.vector_load %arg8[%parallel_loop3A_508, %parallel_loop3A_509] {strides = array<i32>} : memref<200x128xf32, #tpu.memory_space<vmem>>, vector<1x16xf32>,
        %parallel_loop3A_511 = vector.shape_cast %parallel_loop3A_510 : vector<1x16xf32> to vector<16xf32>
        %parallel_loop3A_512 = arith.addf %parallel_loop3A_484, %parallel_loop3A_511 : vector<16xf32>
        %parallel_loop3A_513 = arith.index_cast %parallel_loop3A_479 : i32 to index
        %parallel_loop3A_514 = arith.constant 80 : index
        %parallel_loop3A_515 = tpu.vector_load %arg8[%parallel_loop3A_513, %parallel_loop3A_514] {strides = array<i32>} : memref<200x128xf32, #tpu.memory_space<vmem>>, vector<1x16xf32>,
        %parallel_loop3A_516 = vector.shape_cast %parallel_loop3A_515 : vector<1x16xf32> to vector<16xf32>
        %parallel_loop3A_517 = arith.addf %parallel_loop3A_485, %parallel_loop3A_516 : vector<16xf32>
        %parallel_loop3A_518 = arith.index_cast %parallel_loop3A_479 : i32 to index
        %parallel_loop3A_519 = arith.constant 96 : index
        %parallel_loop3A_520 = tpu.vector_load %arg8[%parallel_loop3A_518, %parallel_loop3A_519] {strides = array<i32>} : memref<200x128xf32, #tpu.memory_space<vmem>>, vector<1x16xf32>,
        %parallel_loop3A_521 = vector.shape_cast %parallel_loop3A_520 : vector<1x16xf32> to vector<16xf32>
        %parallel_loop3A_522 = arith.addf %parallel_loop3A_486, %parallel_loop3A_521 : vector<16xf32>
        %parallel_loop3A_523 = arith.index_cast %parallel_loop3A_479 : i32 to index
        %parallel_loop3A_524 = arith.constant 112 : index
        %parallel_loop3A_525 = tpu.vector_load %arg8[%parallel_loop3A_523, %parallel_loop3A_524] {strides = array<i32>} : memref<200x128xf32, #tpu.memory_space<vmem>>, vector<1x16xf32>,
        %parallel_loop3A_526 = vector.shape_cast %parallel_loop3A_525 : vector<1x16xf32> to vector<16xf32>
        %parallel_loop3A_527 = arith.addf %parallel_loop3A_487, %parallel_loop3A_526 : vector<16xf32>
        scf.yield %parallel_loop3A_492, %parallel_loop3A_497, %parallel_loop3A_502, %parallel_loop3A_507, %parallel_loop3A_512, %parallel_loop3A_517, %parallel_loop3A_522, %parallel_loop3A_527 : vector<16xf32>, vector<16xf32>, vector<16xf32>, vector<16xf32>, vector<16xf32>, vector<16xf32>, vector<16xf32>, vector<16xf32>
      } {sc.loop_unroll_factor = 8 : i64, sc.parallel_access}
      %swap3A_439 = arith.index_cast %add3A_408 : i32 to index
      %swap3A_440 = arith.constant 0 : index
      %swap3A_441 = tpu.vector_load %arg9[%swap3A_439, %swap3A_440] {strides = array<i32>} : memref<128x128xf32, #tpu.memory_space<vmem>>, vector<1x16xf32>,
      %swap3A_442 = vector.shape_cast %swap3A_441 : vector<1x16xf32> to vector<16xf32>
      %swap3A_443 = vector.shape_cast %parallel_loop3A_438#0 : vector<16xf32> to vector<1x16xf32>
      tpu.vector_store %arg9[%swap3A_439, %swap3A_440], %swap3A_443 {strides = array<i32>} : memref<128x128xf32, #tpu.memory_space<vmem>>, vector<1x16xf32>,
      %swap3A_444 = arith.index_cast %add3A_408 : i32 to index
      %swap3A_445 = arith.constant 16 : index
      %swap3A_446 = tpu.vector_load %arg9[%swap3A_444, %swap3A_445] {strides = array<i32>} : memref<128x128xf32, #tpu.memory_space<vmem>>, vector<1x16xf32>,
      %swap3A_447 = vector.shape_cast %swap3A_446 : vector<1x16xf32> to vector<16xf32>
      %swap3A_448 = vector.shape_cast %parallel_loop3A_438#1 : vector<16xf32> to vector<1x16xf32>
      tpu.vector_store %arg9[%swap3A_444, %swap3A_445], %swap3A_448 {strides = array<i32>} : memref<128x128xf32, #tpu.memory_space<vmem>>, vector<1x16xf32>,
      %swap3A_449 = arith.index_cast %add3A_408 : i32 to index
      %swap3A_450 = arith.constant 32 : index
      %swap3A_451 = tpu.vector_load %arg9[%swap3A_449, %swap3A_450] {strides = array<i32>} : memref<128x128xf32, #tpu.memory_space<vmem>>, vector<1x16xf32>,
      %swap3A_452 = vector.shape_cast %swap3A_451 : vector<1x16xf32> to vector<16xf32>
      %swap3A_453 = vector.shape_cast %parallel_loop3A_438#2 : vector<16xf32> to vector<1x16xf32>
      tpu.vector_store %arg9[%swap3A_449, %swap3A_450], %swap3A_453 {strides = array<i32>} : memref<128x128xf32, #tpu.memory_space<vmem>>, vector<1x16xf32>,
      %swap3A_454 = arith.index_cast %add3A_408 : i32 to index
      %swap3A_455 = arith.constant 48 : index
      %swap3A_456 = tpu.vector_load %arg9[%swap3A_454, %swap3A_455] {strides = array<i32>} : memref<128x128xf32, #tpu.memory_space<vmem>>, vector<1x16xf32>,
      %swap3A_457 = vector.shape_cast %swap3A_456 : vector<1x16xf32> to vector<16xf32>
      %swap3A_458 = vector.shape_cast %parallel_loop3A_438#3 : vector<16xf32> to vector<1x16xf32>
      tpu.vector_store %arg9[%swap3A_454, %swap3A_455], %swap3A_458 {strides = array<i32>} : memref<128x128xf32, #tpu.memory_space<vmem>>, vector<1x16xf32>,
      %swap3A_459 = arith.index_cast %add3A_408 : i32 to index
      %swap3A_460 = arith.constant 64 : index
      %swap3A_461 = tpu.vector_load %arg9[%swap3A_459, %swap3A_460] {strides = array<i32>} : memref<128x128xf32, #tpu.memory_space<vmem>>, vector<1x16xf32>,
      %swap3A_462 = vector.shape_cast %swap3A_461 : vector<1x16xf32> to vector<16xf32>
      %swap3A_463 = vector.shape_cast %parallel_loop3A_438#4 : vector<16xf32> to vector<1x16xf32>
      tpu.vector_store %arg9[%swap3A_459, %swap3A_460], %swap3A_463 {strides = array<i32>} : memref<128x128xf32, #tpu.memory_space<vmem>>, vector<1x16xf32>,
      %swap3A_464 = arith.index_cast %add3A_408 : i32 to index
      %swap3A_465 = arith.constant 80 : index
      %swap3A_466 = tpu.vector_load %arg9[%swap3A_464, %swap3A_465] {strides = array<i32>} : memref<128x128xf32, #tpu.memory_space<vmem>>, vector<1x16xf32>,
      %swap3A_467 = vector.shape_cast %swap3A_466 : vector<1x16xf32> to vector<16xf32>
      %swap3A_468 = vector.shape_cast %parallel_loop3A_438#5 : vector<16xf32> to vector<1x16xf32>
      tpu.vector_store %arg9[%swap3A_464, %swap3A_465], %swap3A_468 {strides = array<i32>} : memref<128x128xf32, #tpu.memory_space<vmem>>, vector<1x16xf32>,
      %swap3A_469 = arith.index_cast %add3A_408 : i32 to index
      %swap3A_470 = arith.constant 96 : index
      %swap3A_471 = tpu.vector_load %arg9[%swap3A_469, %swap3A_470] {strides = array<i32>} : memref<128x128xf32, #tpu.memory_space<vmem>>, vector<1x16xf32>,
      %swap3A_472 = vector.shape_cast %swap3A_471 : vector<1x16xf32> to vector<16xf32>
      %swap3A_473 = vector.shape_cast %parallel_loop3A_438#6 : vector<16xf32> to vector<1x16xf32>
      tpu.vector_store %arg9[%swap3A_469, %swap3A_470], %swap3A_473 {strides = array<i32>} : memref<128x128xf32, #tpu.memory_space<vmem>>, vector<1x16xf32>,
      %swap3A_474 = arith.index_cast %add3A_408 : i32 to index
      %swap3A_475 = arith.constant 112 : index
      %swap3A_476 = tpu.vector_load %arg9[%swap3A_474, %swap3A_475] {strides = array<i32>} : memref<128x128xf32, #tpu.memory_space<vmem>>, vector<1x16xf32>,
      %swap3A_477 = vector.shape_cast %swap3A_476 : vector<1x16xf32> to vector<16xf32>
      %swap3A_478 = vector.shape_cast %parallel_loop3A_438#7 : vector<16xf32> to vector<1x16xf32>
      tpu.vector_store %arg9[%swap3A_474, %swap3A_475], %swap3A_478 {strides = array<i32>} : memref<128x128xf32, #tpu.memory_space<vmem>>, vector<1x16xf32>,
    }
    %scan3A_45 = arith.constant 42 : i32
    %broadcast_in_dim3A = arith.constant 0.000000e+00 : f32
    %broadcast_in_dim3A_46 = vector.broadcast %broadcast_in_dim3A : f32 to vector<16xf32>
    %dma_wait3A = arith.constant 0 : i32
    %dma_wait3A_47 = arith.constant 0 : i32
    %dma_wait3A_48 = tpu.memref_slice %arg6[%dma_wait3A, %dma_wait3A_47] : memref<200x128xf32, #tpu.memory_space<vmem>> -> memref<128x128xf32, #tpu.memory_space<vmem>>
    %dma_wait3A_49 = arith.constant 0 : i32
    %dma_wait3A_50 = arith.constant 0 : i32
    %dma_wait3A_51 = tpu.memref_slice %arg3[%dma_wait3A_49, %dma_wait3A_50] : memref<100000x128xf32, #tpu.memory_space<hbm>> -> memref<128x128xf32, #tpu.memory_space<hbm>>
    %dma_wait3A_52 = arith.constant 0 : i32
    %dma_wait3A_53 = arith.constant 0 : i32
    %dma_wait3A_54 = tpu.memref_slice %arg6[%dma_wait3A_52, %dma_wait3A_53] : memref<200x128xf32, #tpu.memory_space<vmem>> -> memref<128x128xf32, #tpu.memory_space<vmem>>
    %dma_wait3A_55 = arith.constant 0 : i32
    %dma_wait3A_56 = arith.constant 0 : i32
    %dma_wait3A_57 = tpu.memref_slice %arg3[%dma_wait3A_55, %dma_wait3A_56] : memref<100000x128xf32, #tpu.memory_space<hbm>> -> memref<128x128xf32, #tpu.memory_space<hbm>>
    tpu.wait_dma2 semaphore(%arg10 : memref<!tpu.dma_semaphore, #tpu.memory_space<semaphore_mem>>) src(%dma_wait3A_57 : memref<128x128xf32, #tpu.memory_space<hbm>>) dst(%dma_wait3A_54 : memref<128x128xf32, #tpu.memory_space<vmem>>)
    %dma_wait3A_58 = arith.constant 128 : i32
    %dma_wait3A_59 = arith.constant 0 : i32
    %dma_wait3A_60 = tpu.memref_slice %arg6[%dma_wait3A_58, %dma_wait3A_59] : memref<200x128xf32, #tpu.memory_space<vmem>> -> memref<72x128xf32, #tpu.memory_space<vmem>>
    %dma_wait3A_61 = arith.constant 0 : i32
    %dma_wait3A_62 = arith.constant 0 : i32
    %dma_wait3A_63 = tpu.memref_slice %arg3[%dma_wait3A_61, %dma_wait3A_62] : memref<100000x128xf32, #tpu.memory_space<hbm>> -> memref<72x128xf32, #tpu.memory_space<hbm>>
    %dma_wait3A_64 = arith.constant 128 : i32
    %dma_wait3A_65 = arith.constant 0 : i32
    %dma_wait3A_66 = tpu.memref_slice %arg6[%dma_wait3A_64, %dma_wait3A_65] : memref<200x128xf32, #tpu.memory_space<vmem>> -> memref<72x128xf32, #tpu.memory_space<vmem>>
    %dma_wait3A_67 = arith.constant 0 : i32
    %dma_wait3A_68 = arith.constant 0 : i32
    %dma_wait3A_69 = tpu.memref_slice %arg3[%dma_wait3A_67, %dma_wait3A_68] : memref<100000x128xf32, #tpu.memory_space<hbm>> -> memref<72x128xf32, #tpu.memory_space<hbm>>
    tpu.wait_dma2 semaphore(%arg10 : memref<!tpu.dma_semaphore, #tpu.memory_space<semaphore_mem>>) src(%dma_wait3A_69 : memref<72x128xf32, #tpu.memory_space<hbm>>) dst(%dma_wait3A_66 : memref<72x128xf32, #tpu.memory_space<vmem>>)
    %parallel_loop3A = arith.constant 0 : i32
    %parallel_loop3A_70 = arith.constant 200 : i32
    %parallel_loop3A_71 = arith.constant 1 : i32
    %parallel_loop3A_72:8 = scf.for %parallel_loop3A_198 = %parallel_loop3A to %parallel_loop3A_70 step %parallel_loop3A_71 iter_args(%parallel_loop3A_199 = %broadcast_in_dim3A_46, %parallel_loop3A_200 = %broadcast_in_dim3A_46, %parallel_loop3A_201 = %broadcast_in_dim3A_46, %parallel_loop3A_202 = %broadcast_in_dim3A_46, %parallel_loop3A_203 = %broadcast_in_dim3A_46, %parallel_loop3A_204 = %broadcast_in_dim3A_46, %parallel_loop3A_205 = %broadcast_in_dim3A_46, %parallel_loop3A_206 = %broadcast_in_dim3A_46) -> (vector<16xf32>, vector<16xf32>, vector<16xf32>, vector<16xf32>, vector<16xf32>, vector<16xf32>, vector<16xf32>, vector<16xf32>)  : i32 {
      %parallel_loop3A_207 = arith.index_cast %parallel_loop3A_198 : i32 to index
      %parallel_loop3A_208 = arith.constant 0 : index
      %parallel_loop3A_209 = tpu.vector_load %arg6[%parallel_loop3A_207, %parallel_loop3A_208] {strides = array<i32>} : memref<200x128xf32, #tpu.memory_space<vmem>>, vector<1x16xf32>,
      %parallel_loop3A_210 = vector.shape_cast %parallel_loop3A_209 : vector<1x16xf32> to vector<16xf32>
      %parallel_loop3A_211 = arith.addf %parallel_loop3A_199, %parallel_loop3A_210 : vector<16xf32>
      %parallel_loop3A_212 = arith.index_cast %parallel_loop3A_198 : i32 to index
      %parallel_loop3A_213 = arith.constant 16 : index
      %parallel_loop3A_214 = tpu.vector_load %arg6[%parallel_loop3A_212, %parallel_loop3A_213] {strides = array<i32>} : memref<200x128xf32, #tpu.memory_space<vmem>>, vector<1x16xf32>,
      %parallel_loop3A_215 = vector.shape_cast %parallel_loop3A_214 : vector<1x16xf32> to vector<16xf32>
      %parallel_loop3A_216 = arith.addf %parallel_loop3A_200, %parallel_loop3A_215 : vector<16xf32>
      %parallel_loop3A_217 = arith.index_cast %parallel_loop3A_198 : i32 to index
      %parallel_loop3A_218 = arith.constant 32 : index
      %parallel_loop3A_219 = tpu.vector_load %arg6[%parallel_loop3A_217, %parallel_loop3A_218] {strides = array<i32>} : memref<200x128xf32, #tpu.memory_space<vmem>>, vector<1x16xf32>,
      %parallel_loop3A_220 = vector.shape_cast %parallel_loop3A_219 : vector<1x16xf32> to vector<16xf32>
      %parallel_loop3A_221 = arith.addf %parallel_loop3A_201, %parallel_loop3A_220 : vector<16xf32>
      %parallel_loop3A_222 = arith.index_cast %parallel_loop3A_198 : i32 to index
      %parallel_loop3A_223 = arith.constant 48 : index
      %parallel_loop3A_224 = tpu.vector_load %arg6[%parallel_loop3A_222, %parallel_loop3A_223] {strides = array<i32>} : memref<200x128xf32, #tpu.memory_space<vmem>>, vector<1x16xf32>,
      %parallel_loop3A_225 = vector.shape_cast %parallel_loop3A_224 : vector<1x16xf32> to vector<16xf32>
      %parallel_loop3A_226 = arith.addf %parallel_loop3A_202, %parallel_loop3A_225 : vector<16xf32>
      %parallel_loop3A_227 = arith.index_cast %parallel_loop3A_198 : i32 to index
      %parallel_loop3A_228 = arith.constant 64 : index
      %parallel_loop3A_229 = tpu.vector_load %arg6[%parallel_loop3A_227, %parallel_loop3A_228] {strides = array<i32>} : memref<200x128xf32, #tpu.memory_space<vmem>>, vector<1x16xf32>,
      %parallel_loop3A_230 = vector.shape_cast %parallel_loop3A_229 : vector<1x16xf32> to vector<16xf32>
      %parallel_loop3A_231 = arith.addf %parallel_loop3A_203, %parallel_loop3A_230 : vector<16xf32>
      %parallel_loop3A_232 = arith.index_cast %parallel_loop3A_198 : i32 to index
      %parallel_loop3A_233 = arith.constant 80 : index
      %parallel_loop3A_234 = tpu.vector_load %arg6[%parallel_loop3A_232, %parallel_loop3A_233] {strides = array<i32>} : memref<200x128xf32, #tpu.memory_space<vmem>>, vector<1x16xf32>,
      %parallel_loop3A_235 = vector.shape_cast %parallel_loop3A_234 : vector<1x16xf32> to vector<16xf32>
      %parallel_loop3A_236 = arith.addf %parallel_loop3A_204, %parallel_loop3A_235 : vector<16xf32>
      %parallel_loop3A_237 = arith.index_cast %parallel_loop3A_198 : i32 to index
      %parallel_loop3A_238 = arith.constant 96 : index
      %parallel_loop3A_239 = tpu.vector_load %arg6[%parallel_loop3A_237, %parallel_loop3A_238] {strides = array<i32>} : memref<200x128xf32, #tpu.memory_space<vmem>>, vector<1x16xf32>,
      %parallel_loop3A_240 = vector.shape_cast %parallel_loop3A_239 : vector<1x16xf32> to vector<16xf32>
      %parallel_loop3A_241 = arith.addf %parallel_loop3A_205, %parallel_loop3A_240 : vector<16xf32>
      %parallel_loop3A_242 = arith.index_cast %parallel_loop3A_198 : i32 to index
      %parallel_loop3A_243 = arith.constant 112 : index
      %parallel_loop3A_244 = tpu.vector_load %arg6[%parallel_loop3A_242, %parallel_loop3A_243] {strides = array<i32>} : memref<200x128xf32, #tpu.memory_space<vmem>>, vector<1x16xf32>,
      %parallel_loop3A_245 = vector.shape_cast %parallel_loop3A_244 : vector<1x16xf32> to vector<16xf32>
      %parallel_loop3A_246 = arith.addf %parallel_loop3A_206, %parallel_loop3A_245 : vector<16xf32>
      scf.yield %parallel_loop3A_211, %parallel_loop3A_216, %parallel_loop3A_221, %parallel_loop3A_226, %parallel_loop3A_231, %parallel_loop3A_236, %parallel_loop3A_241, %parallel_loop3A_246 : vector<16xf32>, vector<16xf32>, vector<16xf32>, vector<16xf32>, vector<16xf32>, vector<16xf32>, vector<16xf32>, vector<16xf32>
    } {sc.loop_unroll_factor = 8 : i64, sc.parallel_access}
    %swap3A = arith.constant 126 : i32
    %swap3A_73 = arith.index_cast %swap3A : i32 to index
    %swap3A_74 = arith.constant 0 : index
    %swap3A_75 = tpu.vector_load %arg9[%swap3A_73, %swap3A_74] {strides = array<i32>} : memref<128x128xf32, #tpu.memory_space<vmem>>, vector<1x16xf32>,
    %swap3A_76 = vector.shape_cast %swap3A_75 : vector<1x16xf32> to vector<16xf32>
    %swap3A_77 = vector.shape_cast %parallel_loop3A_72#0 : vector<16xf32> to vector<1x16xf32>
    tpu.vector_store %arg9[%swap3A_73, %swap3A_74], %swap3A_77 {strides = array<i32>} : memref<128x128xf32, #tpu.memory_space<vmem>>, vector<1x16xf32>,
    %swap3A_78 = arith.constant 126 : i32
    %swap3A_79 = arith.index_cast %swap3A_78 : i32 to index
    %swap3A_80 = arith.constant 16 : index
    %swap3A_81 = tpu.vector_load %arg9[%swap3A_79, %swap3A_80] {strides = array<i32>} : memref<128x128xf32, #tpu.memory_space<vmem>>, vector<1x16xf32>,
    %swap3A_82 = vector.shape_cast %swap3A_81 : vector<1x16xf32> to vector<16xf32>
    %swap3A_83 = vector.shape_cast %parallel_loop3A_72#1 : vector<16xf32> to vector<1x16xf32>
    tpu.vector_store %arg9[%swap3A_79, %swap3A_80], %swap3A_83 {strides = array<i32>} : memref<128x128xf32, #tpu.memory_space<vmem>>, vector<1x16xf32>,
    %swap3A_84 = arith.constant 126 : i32
    %swap3A_85 = arith.index_cast %swap3A_84 : i32 to index
    %swap3A_86 = arith.constant 32 : index
    %swap3A_87 = tpu.vector_load %arg9[%swap3A_85, %swap3A_86] {strides = array<i32>} : memref<128x128xf32, #tpu.memory_space<vmem>>, vector<1x16xf32>,
    %swap3A_88 = vector.shape_cast %swap3A_87 : vector<1x16xf32> to vector<16xf32>
    %swap3A_89 = vector.shape_cast %parallel_loop3A_72#2 : vector<16xf32> to vector<1x16xf32>
    tpu.vector_store %arg9[%swap3A_85, %swap3A_86], %swap3A_89 {strides = array<i32>} : memref<128x128xf32, #tpu.memory_space<vmem>>, vector<1x16xf32>,
    %swap3A_90 = arith.constant 126 : i32
    %swap3A_91 = arith.index_cast %swap3A_90 : i32 to index
    %swap3A_92 = arith.constant 48 : index
    %swap3A_93 = tpu.vector_load %arg9[%swap3A_91, %swap3A_92] {strides = array<i32>} : memref<128x128xf32, #tpu.memory_space<vmem>>, vector<1x16xf32>,
    %swap3A_94 = vector.shape_cast %swap3A_93 : vector<1x16xf32> to vector<16xf32>
    %swap3A_95 = vector.shape_cast %parallel_loop3A_72#3 : vector<16xf32> to vector<1x16xf32>
    tpu.vector_store %arg9[%swap3A_91, %swap3A_92], %swap3A_95 {strides = array<i32>} : memref<128x128xf32, #tpu.memory_space<vmem>>, vector<1x16xf32>,
    %swap3A_96 = arith.constant 126 : i32
    %swap3A_97 = arith.index_cast %swap3A_96 : i32 to index
    %swap3A_98 = arith.constant 64 : index
    %swap3A_99 = tpu.vector_load %arg9[%swap3A_97, %swap3A_98] {strides = array<i32>} : memref<128x128xf32, #tpu.memory_space<vmem>>, vector<1x16xf32>,
    %swap3A_100 = vector.shape_cast %swap3A_99 : vector<1x16xf32> to vector<16xf32>
    %swap3A_101 = vector.shape_cast %parallel_loop3A_72#4 : vector<16xf32> to vector<1x16xf32>
    tpu.vector_store %arg9[%swap3A_97, %swap3A_98], %swap3A_101 {strides = array<i32>} : memref<128x128xf32, #tpu.memory_space<vmem>>, vector<1x16xf32>,
    %swap3A_102 = arith.constant 126 : i32
    %swap3A_103 = arith.index_cast %swap3A_102 : i32 to index
    %swap3A_104 = arith.constant 80 : index
    %swap3A_105 = tpu.vector_load %arg9[%swap3A_103, %swap3A_104] {strides = array<i32>} : memref<128x128xf32, #tpu.memory_space<vmem>>, vector<1x16xf32>,
    %swap3A_106 = vector.shape_cast %swap3A_105 : vector<1x16xf32> to vector<16xf32>
    %swap3A_107 = vector.shape_cast %parallel_loop3A_72#5 : vector<16xf32> to vector<1x16xf32>
    tpu.vector_store %arg9[%swap3A_103, %swap3A_104], %swap3A_107 {strides = array<i32>} : memref<128x128xf32, #tpu.memory_space<vmem>>, vector<1x16xf32>,
    %swap3A_108 = arith.constant 126 : i32
    %swap3A_109 = arith.index_cast %swap3A_108 : i32 to index
    %swap3A_110 = arith.constant 96 : index
    %swap3A_111 = tpu.vector_load %arg9[%swap3A_109, %swap3A_110] {strides = array<i32>} : memref<128x128xf32, #tpu.memory_space<vmem>>, vector<1x16xf32>,
    %swap3A_112 = vector.shape_cast %swap3A_111 : vector<1x16xf32> to vector<16xf32>
    %swap3A_113 = vector.shape_cast %parallel_loop3A_72#6 : vector<16xf32> to vector<1x16xf32>
    tpu.vector_store %arg9[%swap3A_109, %swap3A_110], %swap3A_113 {strides = array<i32>} : memref<128x128xf32, #tpu.memory_space<vmem>>, vector<1x16xf32>,
    %swap3A_114 = arith.constant 126 : i32
    %swap3A_115 = arith.index_cast %swap3A_114 : i32 to index
    %swap3A_116 = arith.constant 112 : index
    %swap3A_117 = tpu.vector_load %arg9[%swap3A_115, %swap3A_116] {strides = array<i32>} : memref<128x128xf32, #tpu.memory_space<vmem>>, vector<1x16xf32>,
    %swap3A_118 = vector.shape_cast %swap3A_117 : vector<1x16xf32> to vector<16xf32>
    %swap3A_119 = vector.shape_cast %parallel_loop3A_72#7 : vector<16xf32> to vector<1x16xf32>
    tpu.vector_store %arg9[%swap3A_115, %swap3A_116], %swap3A_119 {strides = array<i32>} : memref<128x128xf32, #tpu.memory_space<vmem>>, vector<1x16xf32>,
    %broadcast_in_dim3A_120 = arith.constant 0.000000e+00 : f32
    %broadcast_in_dim3A_121 = vector.broadcast %broadcast_in_dim3A_120 : f32 to vector<16xf32>
    %dma_wait3A_122 = arith.constant 0 : i32
    %dma_wait3A_123 = arith.constant 0 : i32
    %dma_wait3A_124 = tpu.memref_slice %arg7[%dma_wait3A_122, %dma_wait3A_123] : memref<200x128xf32, #tpu.memory_space<vmem>> -> memref<128x128xf32, #tpu.memory_space<vmem>>
    %dma_wait3A_125 = arith.constant 0 : i32
    %dma_wait3A_126 = arith.constant 0 : i32
    %dma_wait3A_127 = tpu.memref_slice %arg3[%dma_wait3A_125, %dma_wait3A_126] : memref<100000x128xf32, #tpu.memory_space<hbm>> -> memref<128x128xf32, #tpu.memory_space<hbm>>
    %dma_wait3A_128 = arith.constant 0 : i32
    %dma_wait3A_129 = arith.constant 0 : i32
    %dma_wait3A_130 = tpu.memref_slice %arg7[%dma_wait3A_128, %dma_wait3A_129] : memref<200x128xf32, #tpu.memory_space<vmem>> -> memref<128x128xf32, #tpu.memory_space<vmem>>
    %dma_wait3A_131 = arith.constant 0 : i32
    %dma_wait3A_132 = arith.constant 0 : i32
    %dma_wait3A_133 = tpu.memref_slice %arg3[%dma_wait3A_131, %dma_wait3A_132] : memref<100000x128xf32, #tpu.memory_space<hbm>> -> memref<128x128xf32, #tpu.memory_space<hbm>>
    tpu.wait_dma2 semaphore(%arg11 : memref<!tpu.dma_semaphore, #tpu.memory_space<semaphore_mem>>) src(%dma_wait3A_133 : memref<128x128xf32, #tpu.memory_space<hbm>>) dst(%dma_wait3A_130 : memref<128x128xf32, #tpu.memory_space<vmem>>)
    %dma_wait3A_134 = arith.constant 128 : i32
    %dma_wait3A_135 = arith.constant 0 : i32
    %dma_wait3A_136 = tpu.memref_slice %arg7[%dma_wait3A_134, %dma_wait3A_135] : memref<200x128xf32, #tpu.memory_space<vmem>> -> memref<72x128xf32, #tpu.memory_space<vmem>>
    %dma_wait3A_137 = arith.constant 0 : i32
    %dma_wait3A_138 = arith.constant 0 : i32
    %dma_wait3A_139 = tpu.memref_slice %arg3[%dma_wait3A_137, %dma_wait3A_138] : memref<100000x128xf32, #tpu.memory_space<hbm>> -> memref<72x128xf32, #tpu.memory_space<hbm>>
    %dma_wait3A_140 = arith.constant 128 : i32
    %dma_wait3A_141 = arith.constant 0 : i32
    %dma_wait3A_142 = tpu.memref_slice %arg7[%dma_wait3A_140, %dma_wait3A_141] : memref<200x128xf32, #tpu.memory_space<vmem>> -> memref<72x128xf32, #tpu.memory_space<vmem>>
    %dma_wait3A_143 = arith.constant 0 : i32
    %dma_wait3A_144 = arith.constant 0 : i32
    %dma_wait3A_145 = tpu.memref_slice %arg3[%dma_wait3A_143, %dma_wait3A_144] : memref<100000x128xf32, #tpu.memory_space<hbm>> -> memref<72x128xf32, #tpu.memory_space<hbm>>
    tpu.wait_dma2 semaphore(%arg11 : memref<!tpu.dma_semaphore, #tpu.memory_space<semaphore_mem>>) src(%dma_wait3A_145 : memref<72x128xf32, #tpu.memory_space<hbm>>) dst(%dma_wait3A_142 : memref<72x128xf32, #tpu.memory_space<vmem>>)
    %parallel_loop3A_146 = arith.constant 0 : i32
    %parallel_loop3A_147 = arith.constant 200 : i32
    %parallel_loop3A_148 = arith.constant 1 : i32
    %parallel_loop3A_149:8 = scf.for %parallel_loop3A_198 = %parallel_loop3A_146 to %parallel_loop3A_147 step %parallel_loop3A_148 iter_args(%parallel_loop3A_199 = %broadcast_in_dim3A_121, %parallel_loop3A_200 = %broadcast_in_dim3A_121, %parallel_loop3A_201 = %broadcast_in_dim3A_121, %parallel_loop3A_202 = %broadcast_in_dim3A_121, %parallel_loop3A_203 = %broadcast_in_dim3A_121, %parallel_loop3A_204 = %broadcast_in_dim3A_121, %parallel_loop3A_205 = %broadcast_in_dim3A_121, %parallel_loop3A_206 = %broadcast_in_dim3A_121) -> (vector<16xf32>, vector<16xf32>, vector<16xf32>, vector<16xf32>, vector<16xf32>, vector<16xf32>, vector<16xf32>, vector<16xf32>)  : i32 {
      %parallel_loop3A_207 = arith.index_cast %parallel_loop3A_198 : i32 to index
      %parallel_loop3A_208 = arith.constant 0 : index
      %parallel_loop3A_209 = tpu.vector_load %arg7[%parallel_loop3A_207, %parallel_loop3A_208] {strides = array<i32>} : memref<200x128xf32, #tpu.memory_space<vmem>>, vector<1x16xf32>,
      %parallel_loop3A_210 = vector.shape_cast %parallel_loop3A_209 : vector<1x16xf32> to vector<16xf32>
      %parallel_loop3A_211 = arith.addf %parallel_loop3A_199, %parallel_loop3A_210 : vector<16xf32>
      %parallel_loop3A_212 = arith.index_cast %parallel_loop3A_198 : i32 to index
      %parallel_loop3A_213 = arith.constant 16 : index
      %parallel_loop3A_214 = tpu.vector_load %arg7[%parallel_loop3A_212, %parallel_loop3A_213] {strides = array<i32>} : memref<200x128xf32, #tpu.memory_space<vmem>>, vector<1x16xf32>,
      %parallel_loop3A_215 = vector.shape_cast %parallel_loop3A_214 : vector<1x16xf32> to vector<16xf32>
      %parallel_loop3A_216 = arith.addf %parallel_loop3A_200, %parallel_loop3A_215 : vector<16xf32>
      %parallel_loop3A_217 = arith.index_cast %parallel_loop3A_198 : i32 to index
      %parallel_loop3A_218 = arith.constant 32 : index
      %parallel_loop3A_219 = tpu.vector_load %arg7[%parallel_loop3A_217, %parallel_loop3A_218] {strides = array<i32>} : memref<200x128xf32, #tpu.memory_space<vmem>>, vector<1x16xf32>,
      %parallel_loop3A_220 = vector.shape_cast %parallel_loop3A_219 : vector<1x16xf32> to vector<16xf32>
      %parallel_loop3A_221 = arith.addf %parallel_loop3A_201, %parallel_loop3A_220 : vector<16xf32>
      %parallel_loop3A_222 = arith.index_cast %parallel_loop3A_198 : i32 to index
      %parallel_loop3A_223 = arith.constant 48 : index
      %parallel_loop3A_224 = tpu.vector_load %arg7[%parallel_loop3A_222, %parallel_loop3A_223] {strides = array<i32>} : memref<200x128xf32, #tpu.memory_space<vmem>>, vector<1x16xf32>,
      %parallel_loop3A_225 = vector.shape_cast %parallel_loop3A_224 : vector<1x16xf32> to vector<16xf32>
      %parallel_loop3A_226 = arith.addf %parallel_loop3A_202, %parallel_loop3A_225 : vector<16xf32>
      %parallel_loop3A_227 = arith.index_cast %parallel_loop3A_198 : i32 to index
      %parallel_loop3A_228 = arith.constant 64 : index
      %parallel_loop3A_229 = tpu.vector_load %arg7[%parallel_loop3A_227, %parallel_loop3A_228] {strides = array<i32>} : memref<200x128xf32, #tpu.memory_space<vmem>>, vector<1x16xf32>,
      %parallel_loop3A_230 = vector.shape_cast %parallel_loop3A_229 : vector<1x16xf32> to vector<16xf32>
      %parallel_loop3A_231 = arith.addf %parallel_loop3A_203, %parallel_loop3A_230 : vector<16xf32>
      %parallel_loop3A_232 = arith.index_cast %parallel_loop3A_198 : i32 to index
      %parallel_loop3A_233 = arith.constant 80 : index
      %parallel_loop3A_234 = tpu.vector_load %arg7[%parallel_loop3A_232, %parallel_loop3A_233] {strides = array<i32>} : memref<200x128xf32, #tpu.memory_space<vmem>>, vector<1x16xf32>,
      %parallel_loop3A_235 = vector.shape_cast %parallel_loop3A_234 : vector<1x16xf32> to vector<16xf32>
      %parallel_loop3A_236 = arith.addf %parallel_loop3A_204, %parallel_loop3A_235 : vector<16xf32>
      %parallel_loop3A_237 = arith.index_cast %parallel_loop3A_198 : i32 to index
      %parallel_loop3A_238 = arith.constant 96 : index
      %parallel_loop3A_239 = tpu.vector_load %arg7[%parallel_loop3A_237, %parallel_loop3A_238] {strides = array<i32>} : memref<200x128xf32, #tpu.memory_space<vmem>>, vector<1x16xf32>,
      %parallel_loop3A_240 = vector.shape_cast %parallel_loop3A_239 : vector<1x16xf32> to vector<16xf32>
      %parallel_loop3A_241 = arith.addf %parallel_loop3A_205, %parallel_loop3A_240 : vector<16xf32>
      %parallel_loop3A_242 = arith.index_cast %parallel_loop3A_198 : i32 to index
      %parallel_loop3A_243 = arith.constant 112 : index
      %parallel_loop3A_244 = tpu.vector_load %arg7[%parallel_loop3A_242, %parallel_loop3A_243] {strides = array<i32>} : memref<200x128xf32, #tpu.memory_space<vmem>>, vector<1x16xf32>,
      %parallel_loop3A_245 = vector.shape_cast %parallel_loop3A_244 : vector<1x16xf32> to vector<16xf32>
      %parallel_loop3A_246 = arith.addf %parallel_loop3A_206, %parallel_loop3A_245 : vector<16xf32>
      scf.yield %parallel_loop3A_211, %parallel_loop3A_216, %parallel_loop3A_221, %parallel_loop3A_226, %parallel_loop3A_231, %parallel_loop3A_236, %parallel_loop3A_241, %parallel_loop3A_246 : vector<16xf32>, vector<16xf32>, vector<16xf32>, vector<16xf32>, vector<16xf32>, vector<16xf32>, vector<16xf32>, vector<16xf32>
    } {sc.loop_unroll_factor = 8 : i64, sc.parallel_access}
    %swap3A_150 = arith.constant 127 : i32
    %swap3A_151 = arith.index_cast %swap3A_150 : i32 to index
    %swap3A_152 = arith.constant 0 : index
    %swap3A_153 = tpu.vector_load %arg9[%swap3A_151, %swap3A_152] {strides = array<i32>} : memref<128x128xf32, #tpu.memory_space<vmem>>, vector<1x16xf32>,
    %swap3A_154 = vector.shape_cast %swap3A_153 : vector<1x16xf32> to vector<16xf32>
    %swap3A_155 = vector.shape_cast %parallel_loop3A_149#0 : vector<16xf32> to vector<1x16xf32>
    tpu.vector_store %arg9[%swap3A_151, %swap3A_152], %swap3A_155 {strides = array<i32>} : memref<128x128xf32, #tpu.memory_space<vmem>>, vector<1x16xf32>,
    %swap3A_156 = arith.constant 127 : i32
    %swap3A_157 = arith.index_cast %swap3A_156 : i32 to index
    %swap3A_158 = arith.constant 16 : index
    %swap3A_159 = tpu.vector_load %arg9[%swap3A_157, %swap3A_158] {strides = array<i32>} : memref<128x128xf32, #tpu.memory_space<vmem>>, vector<1x16xf32>,
    %swap3A_160 = vector.shape_cast %swap3A_159 : vector<1x16xf32> to vector<16xf32>
    %swap3A_161 = vector.shape_cast %parallel_loop3A_149#1 : vector<16xf32> to vector<1x16xf32>
    tpu.vector_store %arg9[%swap3A_157, %swap3A_158], %swap3A_161 {strides = array<i32>} : memref<128x128xf32, #tpu.memory_space<vmem>>, vector<1x16xf32>,
    %swap3A_162 = arith.constant 127 : i32
    %swap3A_163 = arith.index_cast %swap3A_162 : i32 to index
    %swap3A_164 = arith.constant 32 : index
    %swap3A_165 = tpu.vector_load %arg9[%swap3A_163, %swap3A_164] {strides = array<i32>} : memref<128x128xf32, #tpu.memory_space<vmem>>, vector<1x16xf32>,
    %swap3A_166 = vector.shape_cast %swap3A_165 : vector<1x16xf32> to vector<16xf32>
    %swap3A_167 = vector.shape_cast %parallel_loop3A_149#2 : vector<16xf32> to vector<1x16xf32>
    tpu.vector_store %arg9[%swap3A_163, %swap3A_164], %swap3A_167 {strides = array<i32>} : memref<128x128xf32, #tpu.memory_space<vmem>>, vector<1x16xf32>,
    %swap3A_168 = arith.constant 127 : i32
    %swap3A_169 = arith.index_cast %swap3A_168 : i32 to index
    %swap3A_170 = arith.constant 48 : index
    %swap3A_171 = tpu.vector_load %arg9[%swap3A_169, %swap3A_170] {strides = array<i32>} : memref<128x128xf32, #tpu.memory_space<vmem>>, vector<1x16xf32>,
    %swap3A_172 = vector.shape_cast %swap3A_171 : vector<1x16xf32> to vector<16xf32>
    %swap3A_173 = vector.shape_cast %parallel_loop3A_149#3 : vector<16xf32> to vector<1x16xf32>
    tpu.vector_store %arg9[%swap3A_169, %swap3A_170], %swap3A_173 {strides = array<i32>} : memref<128x128xf32, #tpu.memory_space<vmem>>, vector<1x16xf32>,
    %swap3A_174 = arith.constant 127 : i32
    %swap3A_175 = arith.index_cast %swap3A_174 : i32 to index
    %swap3A_176 = arith.constant 64 : index
    %swap3A_177 = tpu.vector_load %arg9[%swap3A_175, %swap3A_176] {strides = array<i32>} : memref<128x128xf32, #tpu.memory_space<vmem>>, vector<1x16xf32>,
    %swap3A_178 = vector.shape_cast %swap3A_177 : vector<1x16xf32> to vector<16xf32>
    %swap3A_179 = vector.shape_cast %parallel_loop3A_149#4 : vector<16xf32> to vector<1x16xf32>
    tpu.vector_store %arg9[%swap3A_175, %swap3A_176], %swap3A_179 {strides = array<i32>} : memref<128x128xf32, #tpu.memory_space<vmem>>, vector<1x16xf32>,
    %swap3A_180 = arith.constant 127 : i32
    %swap3A_181 = arith.index_cast %swap3A_180 : i32 to index
    %swap3A_182 = arith.constant 80 : index
    %swap3A_183 = tpu.vector_load %arg9[%swap3A_181, %swap3A_182] {strides = array<i32>} : memref<128x128xf32, #tpu.memory_space<vmem>>, vector<1x16xf32>,
    %swap3A_184 = vector.shape_cast %swap3A_183 : vector<1x16xf32> to vector<16xf32>
    %swap3A_185 = vector.shape_cast %parallel_loop3A_149#5 : vector<16xf32> to vector<1x16xf32>
    tpu.vector_store %arg9[%swap3A_181, %swap3A_182], %swap3A_185 {strides = array<i32>} : memref<128x128xf32, #tpu.memory_space<vmem>>, vector<1x16xf32>,
    %swap3A_186 = arith.constant 127 : i32
    %swap3A_187 = arith.index_cast %swap3A_186 : i32 to index
    %swap3A_188 = arith.constant 96 : index
    %swap3A_189 = tpu.vector_load %arg9[%swap3A_187, %swap3A_188] {strides = array<i32>} : memref<128x128xf32, #tpu.memory_space<vmem>>, vector<1x16xf32>,
    %swap3A_190 = vector.shape_cast %swap3A_189 : vector<1x16xf32> to vector<16xf32>
    %swap3A_191 = vector.shape_cast %parallel_loop3A_149#6 : vector<16xf32> to vector<1x16xf32>
    tpu.vector_store %arg9[%swap3A_187, %swap3A_188], %swap3A_191 {strides = array<i32>} : memref<128x128xf32, #tpu.memory_space<vmem>>, vector<1x16xf32>,
    %swap3A_192 = arith.constant 127 : i32
    %swap3A_193 = arith.index_cast %swap3A_192 : i32 to index
    %swap3A_194 = arith.constant 112 : index
    %swap3A_195 = tpu.vector_load %arg9[%swap3A_193, %swap3A_194] {strides = array<i32>} : memref<128x128xf32, #tpu.memory_space<vmem>>, vector<1x16xf32>,
    %swap3A_196 = vector.shape_cast %swap3A_195 : vector<1x16xf32> to vector<16xf32>
    %swap3A_197 = vector.shape_cast %parallel_loop3A_149#7 : vector<16xf32> to vector<1x16xf32>
    tpu.vector_store %arg9[%swap3A_193, %swap3A_194], %swap3A_197 {strides = array<i32>} : memref<128x128xf32, #tpu.memory_space<vmem>>, vector<1x16xf32>,
    "tpu.region"() ({
      %run_scoped3A = tpu.sem_alloc : memref<!tpu.dma_semaphore, #tpu.memory_space<semaphore_mem>>
      %dma_start3A_198 = arith.constant 0 : i32
      %dma_start3A_199 = tpu.memref_slice %arg4[%mul3A_2, %dma_start3A_198] : memref<4096x128xf32, #tpu.memory_space<hbm>> -> memref<128x128xf32, #tpu.memory_space<hbm>>
      %dma_start3A_200 = arith.constant 0 : i32
      %dma_start3A_201 = tpu.memref_slice %arg4[%mul3A_2, %dma_start3A_200] : memref<4096x128xf32, #tpu.memory_space<hbm>> -> memref<128x128xf32, #tpu.memory_space<hbm>>
      tpu.enqueue_dma source(%arg9 : memref<128x128xf32, #tpu.memory_space<vmem>>) target(%dma_start3A_201 : memref<128x128xf32, #tpu.memory_space<hbm>>) target_semaphore(%run_scoped3A : memref<!tpu.dma_semaphore, #tpu.memory_space<semaphore_mem>>)
      %dma_wait3A_202 = arith.constant 0 : i32
      %dma_wait3A_203 = tpu.memref_slice %arg4[%mul3A_2, %dma_wait3A_202] : memref<4096x128xf32, #tpu.memory_space<hbm>> -> memref<128x128xf32, #tpu.memory_space<hbm>>
      %dma_wait3A_204 = arith.constant 0 : i32
      %dma_wait3A_205 = tpu.memref_slice %arg4[%mul3A_2, %dma_wait3A_204] : memref<4096x128xf32, #tpu.memory_space<hbm>> -> memref<128x128xf32, #tpu.memory_space<hbm>>
      tpu.wait_dma2 semaphore(%run_scoped3A : memref<!tpu.dma_semaphore, #tpu.memory_space<semaphore_mem>>) src(%arg9 : memref<128x128xf32, #tpu.memory_space<vmem>>) dst(%dma_wait3A_205 : memref<128x128xf32, #tpu.memory_space<hbm>>)
      tpu.yield
    }) : () -> ()
    return
  }
}

module attributes {stable_mosaic.version = 14 : i64} {
  func.func @body(%arg0: i32, %arg1: memref<512x128xf32, #tpu.memory_space<vmem>>, %arg2: memref<1024x128xf32, #tpu.memory_space<vmem>>, %arg3: memref<1x1024xf32, #tpu.memory_space<vmem>>, %arg4: memref<512x1024xf32, #tpu.memory_space<vmem>>) attributes {dimension_semantics = [#tpu.dimension_semantics<arbitrary>], iteration_bounds = array<i64: 8>, scalar_prefetch = 0 : i64, scratch_operands = 0 : i64, tpu.core_type = #tpu.core_type<tc>, window_params = [{transform_indices = @transform_0, window_bounds = array<i64: 512, 128>}, {pipeline_mode = #tpu.pipeline_mode<synchronous>, transform_indices = @transform_1, window_bounds = array<i64: 1024, 128>}, {pipeline_mode = #tpu.pipeline_mode<synchronous>, transform_indices = @transform_2, window_bounds = array<i64: 1, 1024>}, {transform_indices = @transform_3, window_bounds = array<i64: 512, 1024>}]} {
    %get3A = arith.constant 0 : index
    %get3A_0 = arith.constant 0 : index
    %get3A_1 = vector.load %arg1[%get3A, %get3A_0] : memref<512x128xf32, #tpu.memory_space<vmem>>, vector<512x128xf32>
    %gt3A = arith.constant 0.000000e+00 : f32
    %gt3A_2 = vector.broadcast %gt3A : f32 to vector<512x128xf32>
    %gt3A_3 = arith.cmpf ogt, %get3A_1, %gt3A_2 : vector<512x128xf32>
    %convert_element_type3A = arith.extui %gt3A_3 : vector<512x128xi1> to vector<512x128xi32>
    %convert_element_type3A_4 = arith.sitofp %convert_element_type3A : vector<512x128xi32> to vector<512x128xf32>
    %get3A_5 = arith.constant 0 : index
    %get3A_6 = arith.constant 0 : index
    %get3A_7 = vector.load %arg2[%get3A_5, %get3A_6] : memref<1024x128xf32, #tpu.memory_space<vmem>>, vector<1024x128xf32>
    %dot_general3A = arith.constant dense<0.000000e+00> : vector<512x1024xf32>
    %dot_general3A_8 = tpu.matmul %convert_element_type3A_4, %get3A_7, %dot_general3A {dimension_numbers = #tpu.dot_dimension_numbers<[1], [1], [0], [0], [0, 0, 1, 0], [], []>, transpose_lhs_hint = false} : vector<512x128xf32>, vector<1024x128xf32>, vector<512x1024xf32> -> vector<512x1024xf32>
    %get3A_9 = arith.constant 0 : index
    %get3A_10 = arith.constant 0 : index
    %get3A_11 = vector.load %arg3[%get3A_9, %get3A_10] : memref<1x1024xf32, #tpu.memory_space<vmem>>, vector<1x1024xf32>
    %add3A = vector.broadcast %get3A_11 : vector<1x1024xf32> to vector<512x1024xf32>
    %add3A_12 = arith.addf %dot_general3A_8, %add3A : vector<512x1024xf32>
    %swap3A = arith.constant 0 : index
    %swap3A_13 = arith.constant 0 : index
    %swap3A_14 = vector.load %arg4[%swap3A, %swap3A_13] : memref<512x1024xf32, #tpu.memory_space<vmem>>, vector<512x1024xf32>
    tpu.vector_store %arg4[%swap3A, %swap3A_13], %add3A_12 {strides = array<i32>} : memref<512x1024xf32, #tpu.memory_space<vmem>>, vector<512x1024xf32>,
    return
  }
  func.func @transform_0(%arg0: i32) -> (i32, i32) {
    %c0_i32 = arith.constant 0 : i32
    %c0_i32_0 = arith.constant 0 : i32
    return %arg0, %c0_i32 : i32, i32
  }
  func.func @transform_1(%arg0: i32) -> (i32, i32) {
    %c0_i32 = arith.constant 0 : i32
    %c0_i32_0 = arith.constant 0 : i32
    %c0_i32_1 = arith.constant 0 : i32
    return %c0_i32, %c0_i32_0 : i32, i32
  }
  func.func @transform_2(%arg0: i32) -> (i32, i32) {
    %c0_i32 = arith.constant 0 : i32
    %c0_i32_0 = arith.constant 0 : i32
    %c0_i32_1 = arith.constant 0 : i32
    return %c0_i32, %c0_i32_0 : i32, i32
  }
  func.func @transform_3(%arg0: i32) -> (i32, i32) {
    %c0_i32 = arith.constant 0 : i32
    %c0_i32_0 = arith.constant 0 : i32
    return %arg0, %c0_i32 : i32, i32
  }
}

</mosaic_0001>

<sc_bundles>
// kernel: kernel.4.cloned.1.call-start
scs
__scs_entry_jumppad:
0x0: {  	(pc) =	sbr.rel $0x88, $3  }
0x1: {  	(tag) =	ssettag $0x0;
	lr =	simm.s32 $0x1  }
0x2: {  	[smem:$0x3F9D] =	sst lr;
	_ =	strace $0xD0000000  }
0x3: {  	_ = 	snop  }
0x4: {  	_ = 	snop  }
0x5: {  	_ = 	snop  }
0x6: {  	_ = 	snop  }
0x7: {  	_ = 	snop  }
__scs_overlays_trampoline_lowered:
0x8: {  	[smem:$0x3FAC] =	sst s0  }
0x9: {  	[smem:$0x3FAD] =	sst s1  }
0xa: {  	[smem:$0x3FAE] =	sst s2  }
0xb: {  	[smem:$0x3FAF] =	sst s3  }
0xc: {  	[smem:$0x3FB0] =	sst s4  }
0xd: {  	[smem:$0x3FB1] =	sst s5  }
0xe: {  	[smem:$0x3FB2] =	sst s6  }
0xf: {  	[smem:$0x3FB3] =	sst s7  }
0x10: {  	[smem:$0x3FB4] =	sst s8  }
0x11: {  	[smem:$0x3FB5] =	sst s9;
	s0 =	simm.s32 @!p0 $0x0  }
0x12: {  	s1 =	sld [smem:$0x3F9B];
	s0 =	simm.s32 @p0 $0x1  }
0x13: {  	[smem:$0x3FB6] =	sst s0;
	s0 =	simm.s32 @!p1 $0x0  }
0x14: {  	s2 =	sld [smem:$0x3F9A];
	s0 =	simm.s32 @p1 $0x1  }
0x15: {  	[smem:$0x3FB7] =	sst s0;
	s0 =	simm.s32 @!p2 $0x0  }
0x16: {  	s3 =	sld [smem:$0x3FDB];
	s0 =	simm.s32 @p2 $0x1  }
0x17: {  	s4 =	simm.s32 $0x1BF5;
	[smem:$0x3FB9] =	sst s0  }
0x18: {  	s0 =	sld [smem:$0x3F9C];
	_ =	swait.ge [sflag:s4], $0x0  }
0x19: {  	s7 =	sld [smem:$0x3F9D]  }
0x1a: {  	s8 =	sadd.s32 $0xFFFFE003, lr  }
0x1b: {  	s9 =	sadd.s32 $0xFFFFFEF7, lr;
	s5 =	simm.s32 $0xFFFFFFFF;
	p2 =	slt.u32 s8, $0xFFFFF086  }
0x1c: {  	p1 =	slt.u32 s9, $0xF7A;
	s5 =	simm.s32 @!p2 $0x0  }
0x1d: {  	s5 =	simm.s32 @p1 $0x1;
	p0 =	seq.s32 s7, s2  }
0x1e: {  	s7 =	smul.u32 @!p0 $0xF7A, s2;
	p2 =	seq.s32 @!p0 s5, $0x0  }
0x1f: {  	s9 =	smul.u32 $0xF7A, s1;
	s8 =	simm.s32 @!p0 $0x1BF5;
	p2 =	por !p2, p0  }
0x20: {  	[sflag:s8] =	ssyncset.s32 @!p0 $0xFFFFF086;
	s6 =	sadd.s32 @!p0 s3, s7;
	s7 =	simm.s32 @!p0 $0x108  }
0x21: {  	s3 =	sadd.s32 s3, s9;
	s6 =	sadd.s32 @!p0 $0x88, s6;
	s7 =	simm.s32 @p2 $0x1082  }
0x22: {  	[simem:s7], [sflag:s8] =	dma.local @!p0 [hbm:s6], $0xF7A  }
0x23: {  	s9 =	sor.u32 $0xD0000000, s2;
	s6 =	simm.s32 $0x108;
	_ =	swait.ge @!p0 [sflag:s8], $0x0  }
0x24: {  	s3 =	sadd.s32 $0x88, s3;
	s6 =	simm.s32 @!p1 $0x1082;
	[sflag:s4] =	ssyncset.s32 $0xFFFFF086  }
0x25: {  	[simem:s6], [sflag:s4] =	dma.local [hbm:s3], $0xF7A  }
0x26: {  	[smem:$0x3F9D] =	sst s1;
	(tag) =	ssettag s2;
	_ =	strace s9  }
0x27: {  	s1 =	sld [smem:$0x3FAD]  }
0x28: {  	s2 =	sld [smem:$0x3FAE]  }
0x29: {  	s4 =	sld [smem:$0x3FB0]  }
0x2a: {  	p0 =	seq.s32 s5, $0x0;
	s5 =	sld [smem:$0x3FB1]  }
0x2b: {  	s6 =	sld [smem:$0x3FB2]  }
0x2c: {  	s7 =	sld [smem:$0x3FB3]  }
0x2d: {  	s3 =	simm.s32 $0x108;
	s8 =	sld [smem:$0x3FB4]  }
0x2e: {  	s3 =	simm.s32 @!p0 $0x1082;
	s9 =	sld [smem:$0x3FB5]  }
0x2f: {  	lr =	sadd.s32 s0, s3;
	s0 =	sld [smem:$0x3FAC]  }
0x30: {  	s3 =	sld [smem:$0x3FAF]  }
0x31: {  	[smem:$0x3FB8] =	sst s10  }
0x32: {  	s10 =	sld [smem:$0x3FB6];
	_ =	sdelay $0x3  }
0x33: {  	p0 =	seq.s32 s10, $0x1;
	s10 =	sld [smem:$0x3FB8];
	_ =	sdelay $0x3  }
0x34: {  	[smem:$0x3FB8] =	sst s10  }
0x35: {  	s10 =	sld [smem:$0x3FB7];
	_ =	sdelay $0x3  }
0x36: {  	p1 =	seq.s32 s10, $0x1;
	s10 =	sld [smem:$0x3FB8];
	_ =	sdelay $0x3  }
0x37: {  	[smem:$0x3FB8] =	sst s10  }
0x38: {  	s10 =	sld [smem:$0x3FB9]  }
0x39: {  	_ = 	snop;
	(pc) =	sbr.ind lr, $3  }
0x3a: {  	_ = 	snop  }
0x3b: {  	_ = 	snop  }
0x3c: {  	p2 =	seq.s32 s10, $0x1;
	s10 =	sld [smem:$0x3FB8]  }
0x3d: {  	_ =	shalt  }
0x3e: {  	_ =	shalt  }
0x3f: {  	_ =	shalt  }
0x40: {  	_ =	shalt  }
0x41: {  	_ =	shalt  }
0x42: {  	_ =	shalt  }
0x43: {  	_ =	shalt  }
0x44: {  	_ =	shalt  }
0x45: {  	_ =	shalt  }
0x46: {  	_ =	shalt  }
0x47: {  	_ =	shalt  }
0x48: {  	_ =	shalt  }
0x49: {  	_ =	shalt  }
0x4a: {  	_ =	shalt  }
0x4b: {  	_ =	shalt  }
0x4c: {  	_ =	shalt  }
0x4d: {  	_ =	shalt  }
0x4e: {  	_ =	shalt  }
0x4f: {  	_ =	shalt  }
0x50: {  	_ =	shalt  }
0x51: {  	_ =	shalt  }
0x52: {  	_ =	shalt  }
0x53: {  	_ =	shalt  }
0x54: {  	_ =	shalt  }
0x55: {  	_ =	shalt  }
0x56: {  	_ =	shalt  }
0x57: {  	_ =	shalt  }
0x58: {  	_ =	shalt  }
0x59: {  	_ =	shalt  }
0x5a: {  	_ =	shalt  }
0x5b: {  	_ =	shalt  }
0x5c: {  	_ =	shalt  }
0x5d: {  	_ =	shalt  }
0x5e: {  	_ =	shalt  }
0x5f: {  	_ =	shalt  }
0x60: {  	_ =	shalt  }
0x61: {  	_ =	shalt  }
0x62: {  	_ =	shalt  }
0x63: {  	_ =	shalt  }
0x64: {  	_ =	shalt  }
0x65: {  	_ =	shalt  }
0x66: {  	_ =	shalt  }
0x67: {  	_ =	shalt  }
0x68: {  	_ =	shalt  }
0x69: {  	_ =	shalt  }
0x6a: {  	_ =	shalt  }
0x6b: {  	_ =	shalt  }
0x6c: {  	_ =	shalt  }
0x6d: {  	_ =	shalt  }
0x6e: {  	_ =	shalt  }
0x6f: {  	_ =	shalt  }
0x70: {  	_ =	shalt  }
0x71: {  	_ =	shalt  }
0x72: {  	_ =	shalt  }
0x73: {  	_ =	shalt  }
0x74: {  	_ =	shalt  }
0x75: {  	_ =	shalt  }
0x76: {  	_ =	shalt  }
0x77: {  	_ =	shalt  }
0x78: {  	_ =	shalt  }
0x79: {  	_ =	shalt  }
0x7a: {  	_ =	shalt  }
0x7b: {  	_ =	shalt  }
0x7c: {  	_ =	shalt  }
0x7d: {  	_ =	shalt  }
0x7e: {  	_ =	shalt  }
0x7f: {  	_ =	shalt  }
0x80: {  	_ =	shalt  }
0x81: {  	_ =	shalt  }
0x82: {  	_ =	shalt  }
0x83: {  	_ =	shalt  }
0x84: {  	_ =	shalt  }
0x85: {  	_ =	shalt  }
0x86: {  	_ =	shalt  }
0x87: {  	_ =	shalt  }
.Lfunc_end0:
.L_simem_size_0:
called_computation_lowered:
.L_overlay_start_0:
0x88: {  	s2 =	sld [smem:$0x3FD9]  }
0x89: {  	s3 =	sld [smem:$0x3FFE];
	_ =	sdelay $0x1  }
0x8a: {  	s1 =	srdreg.scid  }
0x8b: {  	s0 =	sand.u32 $0x1, s1  }
0x8c: {  	s17 =	sshll.u32 s0, $0xA;
	s2 =	sadd.s32 s3, s2  }
0x8d: {  	s2 =	sadd.s32 s2, s17  }
0x8e: {  	[smem:$0x3FC4] =	sst s2  }
0x8f: {  	_ = 	snop  }
0x90: {  	s2 =	sld [smem:$0x3FC8]  }
0x91: {  	s18 =	sld [smem:$0x3FD0];
	(tm) =	ssettm $0x1  }
0x92: {  	s4 =	sld [smem:$0x3FFB];
	_ =	sdelay $0x3  }
0x93: {  	_ =	strace s4  }
0x94: {  	s4 =	sld [smem:$0x3FFC];
	_ =	sdelay $0x3  }
0x95: {  	_ =	strace s4  }
0x96: {  	s4 =	sld [smem:$0x3FFD];
	_ =	sdelay $0x3  }
0x97: {  	_ =	strace s4  }
0x98: {  	_ =	strace $0x8FFFFFFF  }
0x99: {  	s19 =	sld [smem:$0x3FDB];
	_ =	sdelay $0x1  }
0x9a: {  	s5 =	simm.s32 $_scs_section_size  }
0x9b: {  	s6 =	simm.s32 $_size__tile_overlayer_lowered;
	s7 =	simm.s32 $_tile_overlayer_lowered  }
0x9c: {  	s22 =	simm.s32 $0x1BFF;
	s21 =	sshll.u32 s7, $0x1;
	s4 =	sadd.s32 s5, s19  }
0x9d: {  	s8 =	simm.s32 $0x0;
	s20 =	sshll.u32 s6, $0x1;
	s6 =	sadd.s32 s21, s4  }
0x9e: {  	[timem:s8], [sflag:s22] =	dma.local [hbm:s6], s20  }
0x9f: {  	_ =	swait.ge [sflag:s22], s20  }
0xa0: {  	s5 =	ssub.s32 $0x0, s20;
	[sflag:s22] =	ssyncset.done $0x0  }
0xa1: {  	[sflag:s22] =	ssyncadd.s32 s5;
	_ =	sdelay $0x1  }
0xa2: {  	s23 =	simm.s32 $0x1B8B  }
0xa3: {  	_ =	swait.ge [sflag:s23], $0x1  }
0xa4: {  	[sflag:s23] =	ssyncset.done $0x0  }
0xa5: {  	s25 =	simm.s32 $0x1B8E;
	s24 =	sld [smem:$0x3FFE];
	[sflag:s23] =	ssyncadd.s32 $0xFFFFFFFF  }
0xa6: {  	s26 =	simm.s32 $execute0_lowered;
	[smem:$0x3FD2] =	sst s25  }
0xa7: {  	s6 =	sshll.u32 s26, $0x1;
	_ =	strace $0x80000046;
	[dreg:$0x1] =	wrdreg $0xFFFFFFFF  }
0xa8: {  	s28 =	simm.s32 $_size_execute0_lowered;
	s4 =	sadd.s32 s4, s6;
	[dreg:$0x0] =	wrdreg $0x0  }
0xa9: {  	s6 =	sshll.u32 s28, $0x1;
	[dreg:$0x2] =	wrdreg s4  }
0xaa: {  	[dreg:$0x3] =	wrdreg s6  }
0xab: {  	[dreg:$0x4] =	wrdreg $0xC0  }
0xac: {  	_ =	task [dreg:s8], $0x5FFFF  }
0xad: {  	[dreg:$0x1] =	wrdreg $0xFFFFFFFF  }
0xae: {  	[dreg:$0x0] =	wrdreg $0x60  }
0xaf: {  	[dreg:$0x2] =	wrdreg s18  }
0xb0: {  	[dreg:$0x3] =	wrdreg s2  }
0xb1: {  	[dreg:$0x4] =	wrdreg s24  }
0xb2: {  	[dreg:$0x5] =	wrdreg $0x9  }
0xb3: {  	_ =	task.clear_ibuf [dreg:s8], $0x6FFFF;
	_ =	strace $0x90000046  }
0xb4: {  	s29 =	simm.s32 $0x9;
	_ =	strace $0x80000048  }
0xb5: {  	_ =	swait.ge [sflag:s29], $0x1  }
0xb6: {  	[sflag:s29] =	ssyncadd.s32 $0xFFFFFFFF  }
0xb7: {  	_ =	strace $0x90000048  }
0xb8: {  	_ =	sfence  }
0xb9: {  	s30 =	sld [smem:$0x0];
	_ =	sdelay $0x2  }
0xba: {  	s31 =	sshll.u32 s1, $0xD;
	s1 =	sshrl.u32 s1, $0x2  }
0xbb: {  	s3 =	sand.u32 $0x4000, s31;
	s1 =	sadd.s32 s1, s30  }
0xbc: {  	s0 =	sor.u32 s3, s0;
	s1 =	sshll.u32 s1, $0x11  }
0xbd: {  	s0 =	sor.u32 s1, s0  }
0xbe: {  	s0 =	sadd.s32 $0x8F2B, s0  }
0xbf: {  	[sflag:s0] =	ssyncadd.remote.s32 $0x1  }
0xc0: {  	_ =	sfence.sel $0xFFFF  }
0xc1: {  	[dreg:$0x0] =	wrdreg $0xFFFFFFFF;
	(pc) =	sbr.abs _section_cstart, $3  }
0xc2: {  	[dreg:$0x1] =	wrdreg $0xFFFFFFFF  }
0xc3: {  	_ =	task.clear_ibuf [dreg:s8], $0x2FFFF;
	_ =	strace $0x9FFFFFFF  }
0xc4: {  	(tm) =	ssettm $0x7FFFFFFF  }
0xc5: {  	_ =	shalt  }
tec
execute0_lowered:
.L_overlay_start_1:
0x0: {  	(tag) =	ssettag $0x1  }
0x1: {  	s4 =	rddreg [dreg:$0x0]  }
0x2: {  	s1 =	rddreg [dreg:$0x1]  }
0x3: {  	s5 =	rddreg [dreg:$0x2]  }
0x4: {  	s0 =	rddreg [dreg:$0x3];
	s6 =	srdreg.scid;
	s3 =	simm.s32 $0x0  }
0x5: {  	s2 =	stileid.u32;
	s10 =	simm.s32 $0x48;
	s11 =	simm.s32 $0x400  }
0x6: {  	s12 =	simm.s32 $0xC000;
	s13 =	simm.s32 $0xE400;
	s14 =	simm.s32 $0x480  }
0x7: {  	s15 =	simm.s32 $0x12400;
	s16 =	simm.s32 $0x14800;
	s17 =	simm.s32 $0x18800  }
0x8: {  	s18 =	simm.s32 $0x1;
	s19 =	simm.s32 $0x2;
	s20 =	simm.s32 $0x3  }
0x9: {  	s21 =	simm.s32 $0x1AC00;
	s22 =	simm.s32 $0x0;
	s6 =	sand.u32 $0x1, s6  }
0xa: {  	s30 =	simm.s32 $0x0;
	s7 =	sshll.u32 s2, $0x8;
	s8 =	sshll.u32 s6, $0x7  }
0xb: {  	[smem:$0x7FF] =	sst s3;
	s6 =	ssub.s32 $0x2, s6;
	s7 =	sor.u32 s8, s7  }
0xc: {  	_ =	strace $0x80000047;
	s9 =	sshrl.u32 s6, $0x1;
	s8 =	sshll.u32 s7, $0x4  }
0xd: {  	s7 =	sshll.u32 s7, $0x5;
	s6 =	ssub.s32 s6, s9;
	s9 =	simm.s32 $0x8000  }
0xe: {  	s5 =	sadd.s32 s8, s5;
	s4 =	sadd.s32 s4, s7;
	s6 =	smax.u32 s6, $0x1  }
0xf: {  	s7 =	simm.s32 $0x4;
	s8 =	simm.s32 $0x80;
	s5 =	sadd.s32 $0x600, s5  }
.LBB2_1:
0x10: {  	[tilespmem:s3], [sflag:$0x4] =	stream.linear.gather [hbm4b:s4+s3], $0x8000, $0x38;
	[tilespmem:$0x1EC00] =	vst v63  }
0x11: {  	_ =	swait.ge [sflag:s7], $0x8000  }
0x12: {  	[sflag:s7] =	ssyncset.done $0x0  }
0x13: {  	[sflag:s7] =	ssyncadd.s32 $0xFFFF8000  }
0x14: {  	[tilespmem:s9], [sflag:$0x1] =	stream.indirect.gather [hbm4b:s1+s8], $0x80, s3, s8, $0xb8;
	[tilespmem:$0x1EC00] =	vst v63  }
0x15: {  	_ = 	snop  }
0x16: {  	[tilespmem:s12], [sflag:$0x1] =	stream.indirect.gather [hbm4b:s1+s10], $0x80, s11, s10, $0xb8;
	[tilespmem:$0x1EC00] =	vst v63  }
0x17: {  	_ = 	snop  }
0x18: {  	[tilespmem:s13], [sflag:$0x2] =	stream.indirect.gather [hbm4b:s1+s8], $0x80, s8, s8, $0xb8;
	[tilespmem:$0x1EC00] =	vst v63  }
0x19: {  	s23 =	simm.s32 $0x0  }
0x1a: {  	[tilespmem:s15], [sflag:$0x2] =	stream.indirect.gather [hbm4b:s1+s10], $0x80, s14, s10, $0xb8;
	[tilespmem:$0x1EC00] =	vst v63  }
.LBB2_2:
0x1b: {  	s25 =	smul.u32 $0x3, s23;
	_ =	sdelay $0x1  }
0x1c: {  	s24 =	sadd.s32 $0x2, s25  }
0x1d: {  	s26 =	sshll.u32 s24, $0x8;
	s24 =	sshll.u32 s24, $0x7  }
0x1e: {  	s26 =	sand.u32 $0x1F800, s26;
	s28 =	sand.u32 $0x380, s24  }
0x1f: {  	s26 =	sor.u32 s28, s26  }
0x20: {  	[tilespmem:s16], [sflag:$0x3] =	stream.indirect.gather [hbm4b:s1+s8], $0x80, s26, s8, $0xb8;
	[tilespmem:$0x1EC00] =	vst v63  }
0x21: {  	s26 =	sor.u32 $0x400, s26  }
0x22: {  	[tilespmem:s17], [sflag:$0x3] =	stream.indirect.gather [hbm4b:s1+s10], $0x80, s26, s10, $0xb8;
	[tilespmem:$0x1EC00] =	vst v63  }
0x23: {  	_ =	swait.ge [sflag:s18], $0x4000  }
0x24: {  	[sflag:s18] =	ssyncset.done $0x0  }
0x25: {  	[sflag:s18] =	ssyncadd.s32 $0xFFFFC000  }
0x26: {  	_ =	swait.ge [sflag:s18], $0x2400  }
0x27: {  	[sflag:s18] =	ssyncset.done $0x0  }
0x28: {  	s29 =	simm.s32 $0x0;
	[sflag:s18] =	ssyncadd.s32 $0xFFFFDC00  }
0x29: {  	v0 =	vld [tilespmem:s29+$0x8070]  }
0x2a: {  	v2 =	vld [tilespmem:s29+$0x8000]  }
0x2b: {  	v3 =	vld [tilespmem:s29+$0x8010]  }
0x2c: {  	v12 =	vld [tilespmem:s29+$0x8020]  }
0x2d: {  	v10 =	vld [tilespmem:s29+$0x8030]  }
0x2e: {  	v1 =	vimm.f32 $0.0e+00;
	v7 =	vimm.f32 $0.0e+00;
	v5 =	vld [tilespmem:s29+$0x8040]  }
0x2f: {  	v8 =	vimm.f32 $0.0e+00;
	v9 =	vld [tilespmem:s29+$0x8050];
	v0 =	vadd.f32 v0, v1;
	v6 =	vadd.f32 v2, v1  }
0x30: {  	s28 =	simm.s32 $0x400;
	s26 =	simm.s32 $0x80;
	v11 =	vld [tilespmem:s29+$0x8060];
	v4 =	vadd.f32 v3, v1;
	v3 =	vimm.f32 $0.0e+00;
	v2 =	vimm.f32 $0.0e+00  }
.LBB2_3:
0x31: {  	p0 =	sne.s32 s28, $0x18E00;
	v13 =	vld [tilespmem:s26+$0x8070];
	v1 =	vadd.f32 v12, v1  }
0x32: {  	v14 =	vld [tilespmem:s26+$0x8000];
	v7 =	vadd.f32 v10, v7  }
0x33: {  	v15 =	vld [tilespmem:s26+$0x8010];
	v8 =	vadd.f32 v5, v8  }
.Ltmp0:
0x34: {  	v12 =	vld [tilespmem:s26+$0x8020];
	v3 =	vadd.f32 v9, v3;
	(pc) =	sbr.rel @p0 .LBB2_3-.Ltmp0, $4  }
0x35: {  	v10 =	vld [tilespmem:s26+$0x8030];
	v2 =	vadd.f32 v11, v2  }
0x36: {  	v5 =	vld [tilespmem:s26+$0x8040];
	v0 =	vadd.f32 v13, v0  }
0x37: {  	v6 =	vadd.f32 v14, v6;
	v9 =	vld [tilespmem:s26+$0x8050]  }
0x38: {  	v4 =	vadd.f32 v15, v4;
	v11 =	vld [tilespmem:s26+$0x8060];
	s26 =	sshra.s32 s28, $0x2;
	s28 =	sadd.s32 $0x200, s28  }
0x39: {  	v13 =	vld [tilespmem:s26+$0x8070]  }
0x3a: {  	v14 =	vld [tilespmem:s26+$0x8000]  }
0x3b: {  	v15 =	vld [tilespmem:s26+$0x8010]  }
0x3c: {  	v16 =	vld [tilespmem:s26+$0x8020]  }
0x3d: {  	v17 =	vld [tilespmem:s26+$0x8030]  }
0x3e: {  	s28 =	smul.u32 $0x600, s23;
	v7 =	vadd.f32 v10, v7;
	v10 =	vld [tilespmem:s26+$0x8060]  }
0x3f: {  	v18 =	vld [tilespmem:s26+$0x8040];
	v1 =	vadd.f32 v12, v1;
	v6 =	vadd.f32 v14, v6  }
0x40: {  	v12 =	vld [tilespmem:s26+$0x8050];
	s26 =	sshra.s32 s28, $0x2;
	v4 =	vadd.f32 v15, v4  }
0x41: {  	v2 =	vadd.f32 v11, v2;
	v1 =	vadd.f32 v16, v1;
	[tilespmem:s26+$0x1AC00] =	vst v6  }
0x42: {  	v0 =	vadd.f32 v13, v0;
	[tilespmem:s26+$0x1AC10] =	vst v4  }
0x43: {  	v5 =	vadd.f32 v5, v8;
	v2 =	vadd.f32 v10, v2;
	[tilespmem:s26+$0x1AC20] =	vst v1  }
0x44: {  	v3 =	vadd.f32 v9, v3;
	v6 =	vadd.f32 v17, v7;
	[tilespmem:s26+$0x1AC70] =	vst v0  }
0x45: {  	s28 =	sadd.s32 $0x3, s25;
	v4 =	vadd.f32 v18, v5;
	[tilespmem:s26+$0x1AC60] =	vst v2  }
0x46: {  	s29 =	sshll.u32 s28, $0x8;
	s28 =	sshll.u32 s28, $0x7;
	v1 =	vadd.f32 v12, v3;
	[tilespmem:s26+$0x1AC30] =	vst v6  }
0x47: {  	s29 =	sand.u32 $0x1F800, s29;
	s28 =	sand.u32 $0x380, s28;
	[tilespmem:s26+$0x1AC40] =	vst v4  }
0x48: {  	s28 =	sor.u32 s28, s29;
	[tilespmem:s26+$0x1AC50] =	vst v1  }
0x49: {  	[tilespmem:s9], [sflag:$0x1] =	stream.indirect.gather [hbm4b:s1+s8], $0x80, s28, s8, $0xb8;
	[tilespmem:$0x1EC00] =	vst v63  }
0x4a: {  	s28 =	sor.u32 $0x400, s28  }
0x4b: {  	[tilespmem:s12], [sflag:$0x1] =	stream.indirect.gather [hbm4b:s1+s10], $0x80, s28, s10, $0xb8;
	[tilespmem:$0x1EC00] =	vst v63  }
0x4c: {  	_ =	swait.ge [sflag:s19], $0x4000  }
0x4d: {  	[sflag:s19] =	ssyncset.done $0x0  }
0x4e: {  	[sflag:s19] =	ssyncadd.s32 $0xFFFFC000  }
0x4f: {  	_ =	swait.ge [sflag:s19], $0x2400  }
0x50: {  	[sflag:s19] =	ssyncset.done $0x0  }
0x51: {  	[sflag:s19] =	ssyncadd.s32 $0xFFFFDC00  }
0x52: {  	v0 =	vld [tilespmem:s30+$0xE470]  }
0x53: {  	v2 =	vld [tilespmem:s30+$0xE400]  }
0x54: {  	v3 =	vld [tilespmem:s30+$0xE410]  }
0x55: {  	v11 =	vld [tilespmem:s30+$0xE420]  }
0x56: {  	v10 =	vld [tilespmem:s30+$0xE430]  }
0x57: {  	v8 =	vimm.f32 $0.0e+00;
	v1 =	vimm.f32 $0.0e+00;
	v7 =	vld [tilespmem:s30+$0xE440]  }
0x58: {  	v6 =	vimm.f32 $0.0e+00;
	v4 =	vimm.f32 $0.0e+00;
	v9 =	vld [tilespmem:s30+$0xE450];
	v0 =	vadd.f32 v0, v1  }
0x59: {  	s29 =	simm.s32 $0x400;
	s28 =	simm.s32 $0x80;
	v12 =	vld [tilespmem:s30+$0xE460];
	v5 =	vadd.f32 v2, v1;
	v3 =	vadd.f32 v3, v1;
	v2 =	vimm.f32 $0.0e+00  }
.LBB2_5:
0x5a: {  	p0 =	sne.s32 s29, $0x18E00;
	v13 =	vld [tilespmem:s28+$0xE470];
	v1 =	vadd.f32 v11, v1  }
0x5b: {  	v14 =	vld [tilespmem:s28+$0xE400];
	v6 =	vadd.f32 v10, v6  }
0x5c: {  	v15 =	vld [tilespmem:s28+$0xE410];
	v8 =	vadd.f32 v7, v8  }
.Ltmp1:
0x5d: {  	v11 =	vld [tilespmem:s28+$0xE420];
	v4 =	vadd.f32 v9, v4;
	(pc) =	sbr.rel @p0 .LBB2_5-.Ltmp1, $4  }
0x5e: {  	v10 =	vld [tilespmem:s28+$0xE430];
	v2 =	vadd.f32 v12, v2  }
0x5f: {  	v7 =	vld [tilespmem:s28+$0xE440];
	v0 =	vadd.f32 v13, v0  }
0x60: {  	v5 =	vadd.f32 v14, v5;
	v9 =	vld [tilespmem:s28+$0xE450]  }
0x61: {  	v3 =	vadd.f32 v15, v3;
	v12 =	vld [tilespmem:s28+$0xE460];
	s28 =	sshra.s32 s29, $0x2;
	s29 =	sadd.s32 $0x200, s29  }
0x62: {  	v14 =	vld [tilespmem:s28+$0xE400]  }
0x63: {  	v15 =	vld [tilespmem:s28+$0xE410]  }
0x64: {  	v16 =	vld [tilespmem:s28+$0xE420]  }
0x65: {  	v13 =	vld [tilespmem:s28+$0xE470]  }
0x66: {  	v6 =	vadd.f32 v10, v6;
	v10 =	vld [tilespmem:s28+$0xE460]  }
0x67: {  	v17 =	vld [tilespmem:s28+$0xE430];
	v1 =	vadd.f32 v11, v1;
	v5 =	vadd.f32 v14, v5  }
0x68: {  	v18 =	vld [tilespmem:s28+$0xE440];
	v3 =	vadd.f32 v15, v3  }
0x69: {  	v11 =	vld [tilespmem:s28+$0xE450];
	v2 =	vadd.f32 v12, v2;
	v1 =	vadd.f32 v16, v1;
	[tilespmem:s26+$0x1AC80] =	vst v5  }
0x6a: {  	v0 =	vadd.f32 v13, v0;
	[tilespmem:s26+$0x1AC90] =	vst v3  }
0x6b: {  	v7 =	vadd.f32 v7, v8;
	v2 =	vadd.f32 v10, v2;
	[tilespmem:s26+$0x1ACA0] =	vst v1  }
0x6c: {  	v4 =	vadd.f32 v9, v4;
	v5 =	vadd.f32 v17, v6;
	[tilespmem:s26+$0x1ACF0] =	vst v0  }
0x6d: {  	s25 =	sadd.s32 $0x4, s25;
	v3 =	vadd.f32 v18, v7;
	[tilespmem:s26+$0x1ACE0] =	vst v2  }
0x6e: {  	s29 =	sshll.u32 s25, $0x8;
	s25 =	sshll.u32 s25, $0x7;
	v1 =	vadd.f32 v11, v4;
	[tilespmem:s26+$0x1ACB0] =	vst v5  }
0x6f: {  	s28 =	sand.u32 $0x1F800, s29;
	s25 =	sand.u32 $0x380, s25;
	[tilespmem:s26+$0x1ACC0] =	vst v3  }
0x70: {  	s25 =	sor.u32 s25, s28;
	[tilespmem:s26+$0x1ACD0] =	vst v1  }
0x71: {  	[tilespmem:s13], [sflag:$0x2] =	stream.indirect.gather [hbm4b:s1+s8], $0x80, s25, s8, $0xb8;
	[tilespmem:$0x1EC00] =	vst v63  }
0x72: {  	s25 =	sor.u32 $0x400, s25  }
0x73: {  	[tilespmem:s15], [sflag:$0x2] =	stream.indirect.gather [hbm4b:s1+s10], $0x80, s25, s10, $0xb8;
	[tilespmem:$0x1EC00] =	vst v63  }
0x74: {  	_ =	swait.ge [sflag:s20], $0x4000  }
0x75: {  	[sflag:s20] =	ssyncset.done $0x0  }
0x76: {  	[sflag:s20] =	ssyncadd.s32 $0xFFFFC000  }
0x77: {  	_ =	swait.ge [sflag:s20], $0x2400  }
0x78: {  	[sflag:s20] =	ssyncset.done $0x0  }
0x79: {  	s31 =	simm.s32 $0x0;
	[sflag:s20] =	ssyncadd.s32 $0xFFFFDC00  }
0x7a: {  	v0 =	vld [tilespmem:s31+$0x14870]  }
0x7b: {  	v2 =	vld [tilespmem:s31+$0x14800]  }
0x7c: {  	v3 =	vld [tilespmem:s31+$0x14810]  }
0x7d: {  	v11 =	vld [tilespmem:s31+$0x14820]  }
0x7e: {  	v10 =	vld [tilespmem:s31+$0x14830]  }
0x7f: {  	v8 =	vimm.f32 $0.0e+00;
	v1 =	vimm.f32 $0.0e+00;
	v7 =	vld [tilespmem:s31+$0x14840]  }
0x80: {  	v6 =	vimm.f32 $0.0e+00;
	v4 =	vimm.f32 $0.0e+00;
	v9 =	vld [tilespmem:s31+$0x14850];
	v0 =	vadd.f32 v0, v1  }
0x81: {  	s26 =	simm.s32 $0x400;
	s25 =	simm.s32 $0x80;
	v12 =	vld [tilespmem:s31+$0x14860];
	v5 =	vadd.f32 v2, v1;
	v3 =	vadd.f32 v3, v1;
	v2 =	vimm.f32 $0.0e+00  }
.LBB2_7:
0x82: {  	p0 =	sne.s32 s26, $0x18E00;
	v13 =	vld [tilespmem:s25+$0x14870];
	v1 =	vadd.f32 v11, v1  }
0x83: {  	v14 =	vld [tilespmem:s25+$0x14800];
	v6 =	vadd.f32 v10, v6  }
0x84: {  	v15 =	vld [tilespmem:s25+$0x14810];
	v8 =	vadd.f32 v7, v8  }
.Ltmp2:
0x85: {  	v11 =	vld [tilespmem:s25+$0x14820];
	v4 =	vadd.f32 v9, v4;
	(pc) =	sbr.rel @p0 .LBB2_7-.Ltmp2, $4  }
0x86: {  	v10 =	vld [tilespmem:s25+$0x14830];
	v2 =	vadd.f32 v12, v2  }
0x87: {  	v7 =	vld [tilespmem:s25+$0x14840];
	v0 =	vadd.f32 v13, v0  }
0x88: {  	v5 =	vadd.f32 v14, v5;
	v9 =	vld [tilespmem:s25+$0x14850]  }
0x89: {  	v3 =	vadd.f32 v15, v3;
	v12 =	vld [tilespmem:s25+$0x14860];
	s25 =	sshra.s32 s26, $0x2;
	s26 =	sadd.s32 $0x200, s26  }
0x8a: {  	v14 =	vld [tilespmem:s25+$0x14800]  }
0x8b: {  	v15 =	vld [tilespmem:s25+$0x14810]  }
0x8c: {  	v16 =	vld [tilespmem:s25+$0x14820]  }
0x8d: {  	v17 =	vld [tilespmem:s25+$0x14830]  }
0x8e: {  	v18 =	vld [tilespmem:s25+$0x14840]  }
0x8f: {  	v1 =	vadd.f32 v11, v1;
	v59 =	vld [tilespmem:s25+$0x14850];
	v5 =	vadd.f32 v14, v5  }
0x90: {  	v13 =	vld [tilespmem:s25+$0x14870];
	v6 =	vadd.f32 v10, v6;
	v3 =	vadd.f32 v15, v3  }
0x91: {  	v60 =	vld [tilespmem:s25+$0x14860];
	v7 =	vadd.f32 v7, v8;
	v1 =	vadd.f32 v16, v1;
	[tilespmem:s24+$0x1AC00] =	vst v5  }
0x92: {  	s23 =	sadd.s32 $0x1, s23;
	v4 =	vadd.f32 v9, v4;
	v61 =	vadd.f32 v17, v6;
	[tilespmem:s24+$0x1AC10] =	vst v3  }
0x93: {  	p0 =	sne.s32 s23, $0x2A;
	v62 =	vadd.f32 v18, v7;
	[tilespmem:s24+$0x1AC20] =	vst v1  }
.Ltmp3:
0x94: {  	v2 =	vadd.f32 v12, v2;
	v63 =	vadd.f32 v59, v4;
	[tilespmem:s24+$0x1AC30] =	vst v61;
	(pc) =	sbr.rel @p0 .LBB2_2-.Ltmp3, $4  }
0x95: {  	v0 =	vadd.f32 v13, v0;
	[tilespmem:s24+$0x1AC40] =	vst v62  }
0x96: {  	v2 =	vadd.f32 v60, v2;
	[tilespmem:s24+$0x1AC50] =	vst v63  }
0x97: {  	[tilespmem:s24+$0x1AC70] =	vst v0  }
0x98: {  	[tilespmem:s24+$0x1AC60] =	vst v2  }
0x99: {  	_ =	swait.ge [sflag:s18], $0x4000  }
0x9a: {  	[sflag:s18] =	ssyncset.done $0x0  }
0x9b: {  	[sflag:s18] =	ssyncadd.s32 $0xFFFFC000  }
0x9c: {  	_ =	swait.ge [sflag:s18], $0x2400  }
0x9d: {  	[sflag:s18] =	ssyncset.done $0x0  }
0x9e: {  	s25 =	simm.s32 $0x0;
	[sflag:s18] =	ssyncadd.s32 $0xFFFFDC00  }
0x9f: {  	v0 =	vld [tilespmem:s25+$0x8070]  }
0xa0: {  	v2 =	vld [tilespmem:s25+$0x8000]  }
0xa1: {  	v3 =	vld [tilespmem:s25+$0x8010]  }
0xa2: {  	v11 =	vld [tilespmem:s25+$0x8020]  }
0xa3: {  	v10 =	vld [tilespmem:s25+$0x8030]  }
0xa4: {  	v1 =	vimm.f32 $0.0e+00;
	v6 =	vimm.f32 $0.0e+00;
	v7 =	vld [tilespmem:s25+$0x8040]  }
0xa5: {  	v8 =	vimm.f32 $0.0e+00;
	v4 =	vimm.f32 $0.0e+00;
	v9 =	vld [tilespmem:s25+$0x8050];
	v0 =	vadd.f32 v0, v1  }
0xa6: {  	s23 =	simm.s32 $0x80;
	s24 =	simm.s32 $0x400;
	v12 =	vld [tilespmem:s25+$0x8060];
	v5 =	vadd.f32 v2, v1;
	v3 =	vadd.f32 v3, v1;
	v2 =	vimm.f32 $0.0e+00  }
.LBB2_10:
0xa7: {  	p0 =	sne.s32 s24, $0x18E00;
	v13 =	vld [tilespmem:s23+$0x8070];
	v1 =	vadd.f32 v11, v1  }
0xa8: {  	v14 =	vld [tilespmem:s23+$0x8000];
	v6 =	vadd.f32 v10, v6  }
0xa9: {  	v15 =	vld [tilespmem:s23+$0x8010];
	v8 =	vadd.f32 v7, v8  }
.Ltmp4:
0xaa: {  	v11 =	vld [tilespmem:s23+$0x8020];
	v4 =	vadd.f32 v9, v4;
	(pc) =	sbr.rel @p0 .LBB2_10-.Ltmp4, $4  }
0xab: {  	v10 =	vld [tilespmem:s23+$0x8030];
	v2 =	vadd.f32 v12, v2  }
0xac: {  	v7 =	vld [tilespmem:s23+$0x8040];
	v0 =	vadd.f32 v13, v0  }
0xad: {  	v5 =	vadd.f32 v14, v5;
	v9 =	vld [tilespmem:s23+$0x8050]  }
0xae: {  	v3 =	vadd.f32 v15, v3;
	v12 =	vld [tilespmem:s23+$0x8060];
	s23 =	sshra.s32 s24, $0x2;
	s24 =	sadd.s32 $0x200, s24  }
0xaf: {  	v14 =	vld [tilespmem:s23+$0x8000]  }
0xb0: {  	v15 =	vld [tilespmem:s23+$0x8010]  }
0xb1: {  	v16 =	vld [tilespmem:s23+$0x8020]  }
0xb2: {  	v13 =	vld [tilespmem:s23+$0x8070]  }
0xb3: {  	v6 =	vadd.f32 v10, v6;
	v10 =	vld [tilespmem:s23+$0x8060]  }
0xb4: {  	v17 =	vld [tilespmem:s23+$0x8030];
	v1 =	vadd.f32 v11, v1;
	v5 =	vadd.f32 v14, v5  }
0xb5: {  	v18 =	vld [tilespmem:s23+$0x8040];
	v3 =	vadd.f32 v15, v3  }
0xb6: {  	v11 =	vld [tilespmem:s23+$0x8050];
	v2 =	vadd.f32 v12, v2;
	v1 =	vadd.f32 v16, v1;
	[tilespmem:$0x1EB00] =	vst v5  }
0xb7: {  	v0 =	vadd.f32 v13, v0;
	[tilespmem:$0x1EB10] =	vst v3  }
0xb8: {  	v7 =	vadd.f32 v7, v8;
	v2 =	vadd.f32 v10, v2;
	[tilespmem:$0x1EB20] =	vst v1  }
0xb9: {  	v4 =	vadd.f32 v9, v4;
	v5 =	vadd.f32 v17, v6;
	[tilespmem:$0x1EB70] =	vst v0  }
0xba: {  	v3 =	vadd.f32 v18, v7;
	[tilespmem:$0x1EB60] =	vst v2  }
0xbb: {  	v1 =	vadd.f32 v11, v4;
	[tilespmem:$0x1EB30] =	vst v5  }
0xbc: {  	[tilespmem:$0x1EB40] =	vst v3  }
0xbd: {  	[tilespmem:$0x1EB50] =	vst v1  }
0xbe: {  	_ =	swait.ge [sflag:s19], $0x4000  }
0xbf: {  	[sflag:s19] =	ssyncset.done $0x0  }
0xc0: {  	[sflag:s19] =	ssyncadd.s32 $0xFFFFC000  }
0xc1: {  	_ =	swait.ge [sflag:s19], $0x2400  }
0xc2: {  	[sflag:s19] =	ssyncset.done $0x0  }
0xc3: {  	s25 =	simm.s32 $0x0;
	[sflag:s19] =	ssyncadd.s32 $0xFFFFDC00  }
0xc4: {  	v0 =	vld [tilespmem:s25+$0xE470]  }
0xc5: {  	v2 =	vld [tilespmem:s25+$0xE400]  }
0xc6: {  	v3 =	vld [tilespmem:s25+$0xE410]  }
0xc7: {  	v11 =	vld [tilespmem:s25+$0xE420]  }
0xc8: {  	v10 =	vld [tilespmem:s25+$0xE430]  }
0xc9: {  	v8 =	vimm.f32 $0.0e+00;
	v1 =	vimm.f32 $0.0e+00;
	v7 =	vld [tilespmem:s25+$0xE440]  }
0xca: {  	v6 =	vimm.f32 $0.0e+00;
	v4 =	vimm.f32 $0.0e+00;
	v9 =	vld [tilespmem:s25+$0xE450];
	v0 =	vadd.f32 v0, v1  }
0xcb: {  	s24 =	simm.s32 $0x400;
	s23 =	simm.s32 $0x80;
	v12 =	vld [tilespmem:s25+$0xE460];
	v5 =	vadd.f32 v2, v1;
	v3 =	vadd.f32 v3, v1;
	v2 =	vimm.f32 $0.0e+00  }
.LBB2_12:
0xcc: {  	p0 =	sne.s32 s24, $0x18E00;
	v13 =	vld [tilespmem:s23+$0xE470];
	v1 =	vadd.f32 v11, v1  }
0xcd: {  	v14 =	vld [tilespmem:s23+$0xE400];
	v6 =	vadd.f32 v10, v6  }
0xce: {  	v15 =	vld [tilespmem:s23+$0xE410];
	v8 =	vadd.f32 v7, v8  }
.Ltmp5:
0xcf: {  	v11 =	vld [tilespmem:s23+$0xE420];
	v4 =	vadd.f32 v9, v4;
	(pc) =	sbr.rel @p0 .LBB2_12-.Ltmp5, $4  }
0xd0: {  	v10 =	vld [tilespmem:s23+$0xE430];
	v2 =	vadd.f32 v12, v2  }
0xd1: {  	v7 =	vld [tilespmem:s23+$0xE440];
	v0 =	vadd.f32 v13, v0  }
0xd2: {  	v5 =	vadd.f32 v14, v5;
	v9 =	vld [tilespmem:s23+$0xE450]  }
0xd3: {  	v3 =	vadd.f32 v15, v3;
	v12 =	vld [tilespmem:s23+$0xE460];
	s23 =	sshra.s32 s24, $0x2;
	s24 =	sadd.s32 $0x200, s24  }
0xd4: {  	v14 =	vld [tilespmem:s23+$0xE400]  }
0xd5: {  	v15 =	vld [tilespmem:s23+$0xE410]  }
0xd6: {  	v16 =	vld [tilespmem:s23+$0xE420]  }
0xd7: {  	v17 =	vld [tilespmem:s23+$0xE430]  }
0xd8: {  	v18 =	vld [tilespmem:s23+$0xE440]  }
0xd9: {  	v1 =	vadd.f32 v11, v1;
	v59 =	vld [tilespmem:s23+$0xE450];
	v5 =	vadd.f32 v14, v5  }
0xda: {  	v13 =	vld [tilespmem:s23+$0xE470];
	v6 =	vadd.f32 v10, v6;
	v3 =	vadd.f32 v15, v3  }
0xdb: {  	v60 =	vld [tilespmem:s23+$0xE460];
	v7 =	vadd.f32 v7, v8;
	v1 =	vadd.f32 v16, v1;
	[tilespmem:$0x1EB80] =	vst v5  }
0xdc: {  	v4 =	vadd.f32 v9, v4;
	v61 =	vadd.f32 v17, v6;
	[tilespmem:$0x1EB90] =	vst v3  }
0xdd: {  	v62 =	vadd.f32 v18, v7;
	[tilespmem:$0x1EBA0] =	vst v1  }
0xde: {  	v2 =	vadd.f32 v12, v2;
	v63 =	vadd.f32 v59, v4;
	[tilespmem:$0x1EBB0] =	vst v61  }
0xdf: {  	v0 =	vadd.f32 v13, v0;
	[tilespmem:$0x1EBC0] =	vst v62  }
0xe0: {  	s22 =	sadd.s32 $0x1, s22;
	v2 =	vadd.f32 v60, v2;
	[tilespmem:$0x1EBD0] =	vst v63  }
0xe1: {  	p0 =	sne.s32 s22, s6;
	[tilespmem:$0x1EBF0] =	vst v0  }
.Ltmp6:
0xe2: {  	[tilespmem:$0x1EBE0] =	vst v2;
	(pc) =	sbr.rel @p0 .LBB2_1-.Ltmp6, $4  }
0xe3: {  	[hbm4b:s5+s3] =	stream.linear.scatter [tilespmem:s21], [sflag:$0x4], $0x4000, $0x38;
	[tilespmem:$0x1EC00] =	vst v63  }
0xe4: {  	_ =	swait.ge [sflag:s7], $0x4000  }
0xe5: {  	[sflag:s7] =	ssyncset.done $0x0  }
0xe6: {  	[sflag:s7] =	ssyncadd.s32 $0xFFFFC000  }
0xe7: {  	_ =	sfence.sel $0x180000  }
0xe8: {  	[bflag:$0x0] =	sbarrier.arrive $0xFFFF  }
0xe9: {  	p0 =	sne.s32 s2, $0x0;
	_ =	strace $0x90000047  }
0xea: {  	s0 =	sadd.s32 @!p0 $0x100000, s0;
	[bflag:$0x2] =	sbarrier.arrive $0xFFFF  }
0xeb: {  	[sflag:s0] =	ssyncadd.tile.s32 @!p0 $0x1;
	_ =	shalt  }
.Lfunc_end2:
_tile_overlayer_lowered:
.L_overlay_start_2:
0xec: {  	(tag) =	ssettag $0x2  }
0xed: {  	s0 =	rddreg [dreg:$0x0];
	s2 =	stileid.u32  }
0xee: {  	s1 =	rddreg [dreg:$0x1];
	p0 =	sne.s32 s2, $0x0  }
0xef: {  	s3 =	rddreg [dreg:$0x2];
	[bflag:$0x3] =	sbarrier.arrive $0xFFFF;
	s2 =	simm.s32 @!p0 $0x1C04  }
0xf0: {  	[timem:s3], [sflag:s2] =	dma.local @!p0 [hbm:s0], s1  }
0xf1: {  	s0 =	simm.s32 @!p0 $0x4  }
0xf2: {  	_ =	swait.ge @!p0 [sflag:s0], s1  }
0xf3: {  	s1 =	ssub.s32 @!p0 $0x0, s1;
	[sflag:s0] =	ssyncset.done @!p0 $0x0  }
0xf4: {  	[sflag:s0] =	ssyncadd.s32 @!p0 s1  }
0xf5: {  	[bflag:$0x3] =	sbarrier.arrive $0xFFFF  }
0xf6: {  	_ =	shalt  }

</sc_bundles>
